<compile_context>
chip_gen: v7x
topology: tpu7x:2x2x1
jax: 0.10.2.dev20260603
libtpu: 0.0.44.dev20260713+nightly
codegen_flags: <defaults>
</compile_context>

<pallas_src>
import functools

import jax
import jax.numpy as jnp
from jax import lax
from jax.experimental import pallas as pl
from jax.experimental.pallas import tpu as pltpu
from jax.experimental.pallas import tpu_sc as plsc

N_NODES = 10000
N_EDGES = 320000
D = 128
N_GRAPHS = 64
N_LAYERS = 3

NC = 2
NS = 16
NW = NC * NS
EDGES_PER_W = N_EDGES // NW
K = 80
N_CHUNKS = EDGES_PER_W // K
ROWS_PER_S = 624
ROW_TAIL = N_NODES - ROWS_PER_S * NS


def _seg_sum_body(h_hbm, src_hbm, dst_hbm, out_hbm, src_v, dst_v, rows_v, acc, sem):
    c = lax.axis_index("c")
    s = lax.axis_index("s")
    wid = s * NC + c
    r0 = s * ROWS_PER_S
    pltpu.sync_copy(h_hbm.at[pl.ds(r0, ROWS_PER_S)], acc.at[pl.ds(r0, ROWS_PER_S)])

    @pl.when(s == 0)
    def _():
        pltpu.sync_copy(h_hbm.at[pl.ds(ROWS_PER_S * NS, ROW_TAIL)],
                        acc.at[pl.ds(ROWS_PER_S * NS, ROW_TAIL)])

    plsc.subcore_barrier()

    base = wid * EDGES_PER_W

    def body(i, carry):
        off = base + i * K
        pltpu.sync_copy(src_hbm.at[pl.ds(off, K)], src_v)
        pltpu.sync_copy(dst_hbm.at[pl.ds(off, K)], dst_v)
        pltpu.async_copy(h_hbm.at[src_v], rows_v, sem).wait()
        pltpu.sync_copy(rows_v, acc.at[dst_v], add=True)
        return carry

    lax.fori_loop(0, N_CHUNKS, body, 0)
    plsc.subcore_barrier()
    pltpu.sync_copy(acc.at[pl.ds(r0, ROWS_PER_S)],
                    out_hbm.at[c].at[pl.ds(r0, ROWS_PER_S)])

    @pl.when(s == 0)
    def _():
        pltpu.sync_copy(acc.at[pl.ds(ROWS_PER_S * NS, ROW_TAIL)],
                        out_hbm.at[c].at[pl.ds(ROWS_PER_S * NS, ROW_TAIL)])


@functools.cache
def _make_seg_sum():
    return pl.kernel(
        _seg_sum_body,
        out_type=jax.ShapeDtypeStruct((NC, N_NODES, D), jnp.float32),
        mesh=plsc.VectorSubcoreMesh(core_axis_name="c", subcore_axis_name="s",
                                    num_cores=NC, num_subcores=NS),
        scratch_types=[
            pltpu.VMEM((K,), jnp.int32),
            pltpu.VMEM((K,), jnp.int32),
            pltpu.VMEM((K, D), jnp.float32),
            pltpu.VMEM_SHARED((N_NODES, D), jnp.float32),
            pltpu.SemaphoreType.DMA,
        ],
    )


def _mlp_body(h_ref, a_ref, batch_ref, w1_ref, b1_ref, w2_ref, b2_ref,
              g_ref, be_ref, z_ref, pool_ref):
    zin = a_ref[0] + a_ref[1] - h_ref[...]
    t = lax.dot_general(zin, w1_ref[...], (((1,), (1,)), ((), ())),
                        preferred_element_type=jnp.float32) + b1_ref[...]
    t = jnp.maximum(t, 0.0)
    t = lax.dot_general(t, w2_ref[...], (((1,), (1,)), ((), ())),
                        preferred_element_type=jnp.float32) + b2_ref[...]
    t = jnp.maximum(t, 0.0)
    mean = jnp.mean(t, axis=0, keepdims=True)
    var = jnp.mean((t - mean) ** 2, axis=0, keepdims=True)
    zo = (t - mean) * lax.rsqrt(var + 1e-5) * g_ref[...] + be_ref[...]
    z_ref[...] = zo
    onehot = (lax.broadcasted_iota(jnp.int32, (N_GRAPHS, N_NODES), 0)
              == batch_ref[...]).astype(jnp.float32)
    pool_ref[...] = lax.dot_general(onehot, zo, (((1,), (0,)), ((), ())),
                                    precision=lax.Precision.HIGHEST,
                                    preferred_element_type=jnp.float32)


_mlp = pl.pallas_call(
    _mlp_body,
    out_shape=(jax.ShapeDtypeStruct((N_NODES, D), jnp.float32),
               jax.ShapeDtypeStruct((N_GRAPHS, D), jnp.float32)),
)


def kernel(x, edge_index, batch, Ws1, bs1, Ws2, bs2, gammas, betas):
    src = edge_index[0].astype(jnp.int32)
    dst = edge_index[1].astype(jnp.int32)
    batch2d = batch.astype(jnp.int32).reshape(1, N_NODES)
    h = x
    pools = []
    for i in range(N_LAYERS):
        acc = _make_seg_sum()(h, src, dst)
        h, pool = _mlp(h, acc, batch2d,
                       Ws1[i], bs1[i].reshape(1, D),
                       Ws2[i], bs2[i].reshape(1, D),
                       gammas[i].reshape(1, D), betas[i].reshape(1, D))
        pools.append(pool)
    return jnp.concatenate(pools, axis=1)

# --- scband reference (transcript-rebuilt; emitter-appended) ---
"""Pipeline reference for scband-encoder-gin-25185688224507 (READ-ONLY COPY).

The authoritative reference and input builder live on the scoring server;
editing this copy changes nothing except your own understanding.
"""

import jax, jax.numpy as jnp
import numpy as np

N_NODES = 10000
N_EDGES = 320000
D_FEAT = 128
DIM = 128
N_LAYERS = 3
N_GRAPHS = 64

def setup_inputs(seed: int = 0) -> dict:
    key = jax.random.key(seed)
    ks = jax.random.split(key, 16)
    x = jax.random.normal(ks[0], (N_NODES, D_FEAT), dtype=jnp.float32)
    edge_index = jax.random.randint(ks[1], (2, N_EDGES), 0, N_NODES, dtype=jnp.int64)
    batch = jnp.sort(jax.random.randint(ks[2], (N_NODES,), 0, N_GRAPHS, dtype=jnp.int64))
    # stacked per-layer params (layer 0 has in=num_features=128 == dim, so stacking works)
    Ws1 = jax.random.normal(ks[3], (N_LAYERS, DIM, DIM), dtype=jnp.float32) * 0.05
    bs1 = jax.random.normal(ks[4], (N_LAYERS, DIM), dtype=jnp.float32) * 0.05
    Ws2 = jax.random.normal(ks[5], (N_LAYERS, DIM, DIM), dtype=jnp.float32) * 0.05
    bs2 = jax.random.normal(ks[6], (N_LAYERS, DIM), dtype=jnp.float32) * 0.05
    gammas = jnp.ones((N_LAYERS, DIM), dtype=jnp.float32)
    betas = jnp.zeros((N_LAYERS, DIM), dtype=jnp.float32)
    return {"x": x, "edge_index": edge_index, "batch": batch,
            "Ws1": Ws1, "bs1": bs1, "Ws2": Ws2, "bs2": bs2,
            "gammas": gammas, "betas": betas}

def reference(x, edge_index, batch, Ws1, bs1, Ws2, bs2, gammas, betas):
    src = edge_index[0]
    dst = edge_index[1]
    xs = []
    h = x
    for i in range(N_LAYERS):
        # GINConv (eps=0, train_eps=False): out = mlp((1+eps)*x + sum_{j in N(i)} x_j)
        agg = jax.ops.segment_sum(h[src], dst, num_segments=N_NODES)
        z = h + agg
        z = z @ Ws1[i].T + bs1[i]
        z = jax.nn.relu(z)
        z = z @ Ws2[i].T + bs2[i]
        # F.relu after conv
        z = jax.nn.relu(z)
        # BatchNorm1d (training-mode batch statistics, biased variance)
        mean = jnp.mean(z, axis=0)
        var = jnp.var(z, axis=0)
        z = (z - mean) / jnp.sqrt(var + 1e-5) * gammas[i] + betas[i]
        xs.append(z)
        h = z
    # global_add_pool per layer, then concat
    pools = [jax.ops.segment_sum(xx, batch, num_segments=N_GRAPHS) for xx in xs]
    return jnp.concatenate(pools, axis=1)

if __name__ == "__main__":
    import jax
    _d = setup_inputs()
    print(jax.jit(kernel)(*tuple(_d.values())))

</pallas_src>

<mosaic_0001>
#map = affine_map<(d0, d1) -> (0, 0)>
#map1 = affine_map<(d0, d1) -> (0)>
#map2 = affine_map<(d0, d1) -> (0, 0, 0)>
module attributes {stable_mosaic.version = 14 : i64} {
  func.func @_seg_sum_body(%arg0: i32, %arg1: i32, %arg2: memref<10000x128xf32, #tpu.memory_space<hbm>>, %arg3: memref<320000xi32, #tpu.memory_space<hbm>>, %arg4: memref<320000xi32, #tpu.memory_space<hbm>>, %arg5: memref<2x10000x128xf32, #tpu.memory_space<hbm>>, %arg6: memref<80xi32, #tpu.memory_space<vmem>>, %arg7: memref<80xi32, #tpu.memory_space<vmem>>, %arg8: memref<80x128xf32, #tpu.memory_space<vmem>>, %arg9: memref<10000x128xf32, #tpu.memory_space<vmem_shared>>, %arg10: memref<!tpu.dma_semaphore, #tpu.memory_space<semaphore_mem>>) attributes {dimension_semantics = [#tpu.dimension_semantics<core_parallel>, #tpu.dimension_semantics<subcore_parallel>], iteration_bounds = array<i64: 2, 16>, scalar_prefetch = 0 : i64, scratch_operands = 5 : i64, tpu.core_type = #tpu.core_type<sc_vector_subcore>, window_params = [{transform_indices = #map}, {transform_indices = #map1}, {transform_indices = #map1}, {transform_indices = #map2}]} {
    %mul3A = arith.constant 2 : i32
    %mul3A_0 = arith.muli %arg1, %mul3A : i32
    %add3A = arith.addi %mul3A_0, %arg0 : i32
    %mul3A_1 = arith.constant 624 : i32
    %mul3A_2 = arith.muli %arg1, %mul3A_1 : i32
    "tpu.region"() ({
      %run_scoped3A = tpu.sem_alloc : memref<!tpu.dma_semaphore, #tpu.memory_space<semaphore_mem>>
      %dma_start3A = arith.constant 0 : i32
      %dma_start3A_18 = tpu.memref_slice %arg9[%mul3A_2, %dma_start3A] : memref<10000x128xf32, #tpu.memory_space<vmem_shared>> -> memref<624x128xf32, #tpu.memory_space<vmem_shared>>
      %dma_start3A_19 = arith.constant 0 : i32
      %dma_start3A_20 = tpu.memref_slice %arg2[%mul3A_2, %dma_start3A_19] : memref<10000x128xf32, #tpu.memory_space<hbm>> -> memref<624x128xf32, #tpu.memory_space<hbm>>
      tpu.enqueue_dma source(%dma_start3A_20 : memref<624x128xf32, #tpu.memory_space<hbm>>) target(%dma_start3A_18 : memref<624x128xf32, #tpu.memory_space<vmem_shared>>) target_semaphore(%run_scoped3A : memref<!tpu.dma_semaphore, #tpu.memory_space<semaphore_mem>>)
      %dma_wait3A = arith.constant 0 : i32
      %dma_wait3A_21 = tpu.memref_slice %arg9[%mul3A_2, %dma_wait3A] : memref<10000x128xf32, #tpu.memory_space<vmem_shared>> -> memref<624x128xf32, #tpu.memory_space<vmem_shared>>
      %dma_wait3A_22 = arith.constant 0 : i32
      %dma_wait3A_23 = tpu.memref_slice %arg2[%mul3A_2, %dma_wait3A_22] : memref<10000x128xf32, #tpu.memory_space<hbm>> -> memref<624x128xf32, #tpu.memory_space<hbm>>
      tpu.wait_dma2 semaphore(%run_scoped3A : memref<!tpu.dma_semaphore, #tpu.memory_space<semaphore_mem>>) src(%dma_wait3A_23 : memref<624x128xf32, #tpu.memory_space<hbm>>) dst(%dma_wait3A_21 : memref<624x128xf32, #tpu.memory_space<vmem_shared>>)
      tpu.yield
    }) : () -> ()
    %eq3A = arith.constant 0 : i32
    %eq3A_3 = arith.cmpi eq, %arg1, %eq3A : i32
    %convert_element_type3A = arith.extui %eq3A_3 : i1 to i32
    %cond3A = arith.constant 0 : i32
    %cond3A_4 = arith.cmpi ne, %convert_element_type3A, %cond3A : i32
    scf.if %cond3A_4 {
      "tpu.region"() ({
        %run_scoped3A = tpu.sem_alloc : memref<!tpu.dma_semaphore, #tpu.memory_space<semaphore_mem>>
        %dma_start3A = arith.constant 9984 : i32
        %dma_start3A_18 = arith.constant 0 : i32
        %dma_start3A_19 = tpu.memref_slice %arg9[%dma_start3A, %dma_start3A_18] : memref<10000x128xf32, #tpu.memory_space<vmem_shared>> -> memref<16x128xf32, #tpu.memory_space<vmem_shared>>
        %dma_start3A_20 = arith.constant 9984 : i32
        %dma_start3A_21 = arith.constant 0 : i32
        %dma_start3A_22 = tpu.memref_slice %arg2[%dma_start3A_20, %dma_start3A_21] : memref<10000x128xf32, #tpu.memory_space<hbm>> -> memref<16x128xf32, #tpu.memory_space<hbm>>
        tpu.enqueue_dma source(%dma_start3A_22 : memref<16x128xf32, #tpu.memory_space<hbm>>) target(%dma_start3A_19 : memref<16x128xf32, #tpu.memory_space<vmem_shared>>) target_semaphore(%run_scoped3A : memref<!tpu.dma_semaphore, #tpu.memory_space<semaphore_mem>>)
        %dma_wait3A = arith.constant 9984 : i32
        %dma_wait3A_23 = arith.constant 0 : i32
        %dma_wait3A_24 = tpu.memref_slice %arg9[%dma_wait3A, %dma_wait3A_23] : memref<10000x128xf32, #tpu.memory_space<vmem_shared>> -> memref<16x128xf32, #tpu.memory_space<vmem_shared>>
        %dma_wait3A_25 = arith.constant 9984 : i32
        %dma_wait3A_26 = arith.constant 0 : i32
        %dma_wait3A_27 = tpu.memref_slice %arg2[%dma_wait3A_25, %dma_wait3A_26] : memref<10000x128xf32, #tpu.memory_space<hbm>> -> memref<16x128xf32, #tpu.memory_space<hbm>>
        tpu.wait_dma2 semaphore(%run_scoped3A : memref<!tpu.dma_semaphore, #tpu.memory_space<semaphore_mem>>) src(%dma_wait3A_27 : memref<16x128xf32, #tpu.memory_space<hbm>>) dst(%dma_wait3A_24 : memref<16x128xf32, #tpu.memory_space<vmem_shared>>)
        tpu.yield
      }) : () -> ()
    } else {
    }
    %barrier3A = arith.constant 0 : index
    tpu.barrier barrier_id(%barrier3A)
    %mul3A_5 = arith.constant 10000 : i32
    %mul3A_6 = arith.muli %add3A, %mul3A_5 : i32
    %scan3A = arith.constant 0 : i32
    %scan3A_7 = arith.constant 0 : i32
    %scan3A_8 = arith.constant 125 : i32
    %scan3A_9 = arith.addi %scan3A_7, %scan3A_8 : i32
    %scan3A_10 = arith.constant 1 : i32
    scf.for %scan3A_18 = %scan3A_7 to %scan3A_9 step %scan3A_10  : i32 {
      %mul3A_19 = arith.constant 80 : i32
      %mul3A_20 = arith.muli %scan3A_18, %mul3A_19 : i32
      %add3A_21 = arith.addi %mul3A_6, %mul3A_20 : i32
      "tpu.region"() ({
        %run_scoped3A = tpu.sem_alloc : memref<!tpu.dma_semaphore, #tpu.memory_space<semaphore_mem>>
        %dma_start3A_26 = tpu.memref_slice %arg3[%add3A_21] : memref<320000xi32, #tpu.memory_space<hbm>> -> memref<80xi32, #tpu.memory_space<hbm>>
        %dma_start3A_27 = tpu.memref_slice %arg3[%add3A_21] : memref<320000xi32, #tpu.memory_space<hbm>> -> memref<80xi32, #tpu.memory_space<hbm>>
        tpu.enqueue_dma source(%dma_start3A_27 : memref<80xi32, #tpu.memory_space<hbm>>) target(%arg6 : memref<80xi32, #tpu.memory_space<vmem>>) target_semaphore(%run_scoped3A : memref<!tpu.dma_semaphore, #tpu.memory_space<semaphore_mem>>)
        %dma_wait3A_28 = tpu.memref_slice %arg3[%add3A_21] : memref<320000xi32, #tpu.memory_space<hbm>> -> memref<80xi32, #tpu.memory_space<hbm>>
        %dma_wait3A_29 = tpu.memref_slice %arg3[%add3A_21] : memref<320000xi32, #tpu.memory_space<hbm>> -> memref<80xi32, #tpu.memory_space<hbm>>
        tpu.wait_dma2 semaphore(%run_scoped3A : memref<!tpu.dma_semaphore, #tpu.memory_space<semaphore_mem>>) src(%dma_wait3A_29 : memref<80xi32, #tpu.memory_space<hbm>>) dst(%arg6 : memref<80xi32, #tpu.memory_space<vmem>>)
        tpu.yield
      }) : () -> ()
      "tpu.region"() ({
        %run_scoped3A = tpu.sem_alloc : memref<!tpu.dma_semaphore, #tpu.memory_space<semaphore_mem>>
        %dma_start3A_26 = tpu.memref_slice %arg4[%add3A_21] : memref<320000xi32, #tpu.memory_space<hbm>> -> memref<80xi32, #tpu.memory_space<hbm>>
        %dma_start3A_27 = tpu.memref_slice %arg4[%add3A_21] : memref<320000xi32, #tpu.memory_space<hbm>> -> memref<80xi32, #tpu.memory_space<hbm>>
        tpu.enqueue_dma source(%dma_start3A_27 : memref<80xi32, #tpu.memory_space<hbm>>) target(%arg7 : memref<80xi32, #tpu.memory_space<vmem>>) target_semaphore(%run_scoped3A : memref<!tpu.dma_semaphore, #tpu.memory_space<semaphore_mem>>)
        %dma_wait3A_28 = tpu.memref_slice %arg4[%add3A_21] : memref<320000xi32, #tpu.memory_space<hbm>> -> memref<80xi32, #tpu.memory_space<hbm>>
        %dma_wait3A_29 = tpu.memref_slice %arg4[%add3A_21] : memref<320000xi32, #tpu.memory_space<hbm>> -> memref<80xi32, #tpu.memory_space<hbm>>
        tpu.wait_dma2 semaphore(%run_scoped3A : memref<!tpu.dma_semaphore, #tpu.memory_space<semaphore_mem>>) src(%dma_wait3A_29 : memref<80xi32, #tpu.memory_space<hbm>>) dst(%arg7 : memref<80xi32, #tpu.memory_space<vmem>>)
        tpu.yield
      }) : () -> ()
      %dma_start3A = arith.constant 0 : i32
      %dma_start3A_22 = arith.constant 0 : i32
      %dma_start3A_23 = tpu.memref_slice %arg2[%dma_start3A, %dma_start3A_22] : memref<10000x128xf32, #tpu.memory_space<hbm>> -> memref<10000x128xf32, #tpu.memory_space<hbm>>
      tpu.enqueue_indirect_dma source(%dma_start3A_23 : memref<10000x128xf32, #tpu.memory_space<hbm>>) target(%arg8 : memref<80x128xf32, #tpu.memory_space<vmem>>) offsets(%arg6 : memref<80xi32, #tpu.memory_space<vmem>>) semaphore(%arg10 : memref<!tpu.dma_semaphore, #tpu.memory_space<semaphore_mem>>)
      %dma_wait3A = arith.constant 0 : i32
      %dma_wait3A_24 = arith.constant 0 : i32
      %dma_wait3A_25 = tpu.memref_slice %arg2[%dma_wait3A, %dma_wait3A_24] : memref<10000x128xf32, #tpu.memory_space<hbm>> -> memref<10000x128xf32, #tpu.memory_space<hbm>>
      tpu.wait_indirect_dma semaphore(%arg10 : memref<!tpu.dma_semaphore, #tpu.memory_space<semaphore_mem>>) src(%dma_wait3A_25 : memref<10000x128xf32, #tpu.memory_space<hbm>>) dst(%arg8 : memref<80x128xf32, #tpu.memory_space<vmem>>)
      "tpu.region"() ({
        %run_scoped3A = tpu.sem_alloc : memref<!tpu.dma_semaphore, #tpu.memory_space<semaphore_mem>>
        %dma_start3A_26 = arith.constant 0 : i32
        %dma_start3A_27 = arith.constant 0 : i32
        %dma_start3A_28 = tpu.memref_slice %arg9[%dma_start3A_26, %dma_start3A_27] : memref<10000x128xf32, #tpu.memory_space<vmem_shared>> -> memref<10000x128xf32, #tpu.memory_space<vmem_shared>>
        tpu.enqueue_indirect_dma source(%arg8 : memref<80x128xf32, #tpu.memory_space<vmem>>) target(%dma_start3A_28 : memref<10000x128xf32, #tpu.memory_space<vmem_shared>>) offsets(%arg7 : memref<80xi32, #tpu.memory_space<vmem>>) semaphore(%run_scoped3A : memref<!tpu.dma_semaphore, #tpu.memory_space<semaphore_mem>>) {add = true}
        %dma_wait3A_29 = arith.constant 0 : i32
        %dma_wait3A_30 = arith.constant 0 : i32
        %dma_wait3A_31 = tpu.memref_slice %arg9[%dma_wait3A_29, %dma_wait3A_30] : memref<10000x128xf32, #tpu.memory_space<vmem_shared>> -> memref<10000x128xf32, #tpu.memory_space<vmem_shared>>
        tpu.wait_indirect_dma semaphore(%run_scoped3A : memref<!tpu.dma_semaphore, #tpu.memory_space<semaphore_mem>>) src(%arg8 : memref<80x128xf32, #tpu.memory_space<vmem>>) dst(%dma_wait3A_31 : memref<10000x128xf32, #tpu.memory_space<vmem_shared>>)
        tpu.yield
      }) : () -> ()
    }
    %scan3A_11 = arith.constant 125 : i32
    %barrier3A_12 = arith.constant 0 : index
    tpu.barrier barrier_id(%barrier3A_12)
    "tpu.region"() ({
      %run_scoped3A = tpu.sem_alloc : memref<!tpu.dma_semaphore, #tpu.memory_space<semaphore_mem>>
      %dma_start3A = arith.constant 0 : i32
      %dma_start3A_18 = arith.constant 0 : i32
      %dma_start3A_19 = tpu.memref_slice %arg5[%arg0, %dma_start3A, %dma_start3A_18] : memref<2x10000x128xf32, #tpu.memory_space<hbm>> -> memref<1x10000x128xf32, #tpu.memory_space<hbm>>
      %dma_start3A_20 = tpu.memref_squeeze %dma_start3A_19 : memref<1x10000x128xf32, #tpu.memory_space<hbm>> -> memref<10000x128xf32, #tpu.memory_space<hbm>>
      %dma_start3A_21 = arith.constant 0 : i32
      %dma_start3A_22 = tpu.memref_slice %dma_start3A_20[%mul3A_2, %dma_start3A_21] : memref<10000x128xf32, #tpu.memory_space<hbm>> -> memref<624x128xf32, #tpu.memory_space<hbm>>
      %dma_start3A_23 = arith.constant 0 : i32
      %dma_start3A_24 = tpu.memref_slice %arg9[%mul3A_2, %dma_start3A_23] : memref<10000x128xf32, #tpu.memory_space<vmem_shared>> -> memref<624x128xf32, #tpu.memory_space<vmem_shared>>
      tpu.enqueue_dma source(%dma_start3A_24 : memref<624x128xf32, #tpu.memory_space<vmem_shared>>) target(%dma_start3A_22 : memref<624x128xf32, #tpu.memory_space<hbm>>) target_semaphore(%run_scoped3A : memref<!tpu.dma_semaphore, #tpu.memory_space<semaphore_mem>>)
      %dma_wait3A = arith.constant 0 : i32
      %dma_wait3A_25 = arith.constant 0 : i32
      %dma_wait3A_26 = tpu.memref_slice %arg5[%arg0, %dma_wait3A, %dma_wait3A_25] : memref<2x10000x128xf32, #tpu.memory_space<hbm>> -> memref<1x10000x128xf32, #tpu.memory_space<hbm>>
      %dma_wait3A_27 = tpu.memref_squeeze %dma_wait3A_26 : memref<1x10000x128xf32, #tpu.memory_space<hbm>> -> memref<10000x128xf32, #tpu.memory_space<hbm>>
      %dma_wait3A_28 = arith.constant 0 : i32
      %dma_wait3A_29 = tpu.memref_slice %dma_wait3A_27[%mul3A_2, %dma_wait3A_28] : memref<10000x128xf32, #tpu.memory_space<hbm>> -> memref<624x128xf32, #tpu.memory_space<hbm>>
      %dma_wait3A_30 = arith.constant 0 : i32
      %dma_wait3A_31 = tpu.memref_slice %arg9[%mul3A_2, %dma_wait3A_30] : memref<10000x128xf32, #tpu.memory_space<vmem_shared>> -> memref<624x128xf32, #tpu.memory_space<vmem_shared>>
      tpu.wait_dma2 semaphore(%run_scoped3A : memref<!tpu.dma_semaphore, #tpu.memory_space<semaphore_mem>>) src(%dma_wait3A_31 : memref<624x128xf32, #tpu.memory_space<vmem_shared>>) dst(%dma_wait3A_29 : memref<624x128xf32, #tpu.memory_space<hbm>>)
      tpu.yield
    }) : () -> ()
    %eq3A_13 = arith.constant 0 : i32
    %eq3A_14 = arith.cmpi eq, %arg1, %eq3A_13 : i32
    %convert_element_type3A_15 = arith.extui %eq3A_14 : i1 to i32
    %cond3A_16 = arith.constant 0 : i32
    %cond3A_17 = arith.cmpi ne, %convert_element_type3A_15, %cond3A_16 : i32
    scf.if %cond3A_17 {
      "tpu.region"() ({
        %run_scoped3A = tpu.sem_alloc : memref<!tpu.dma_semaphore, #tpu.memory_space<semaphore_mem>>
        %dma_start3A = arith.constant 0 : i32
        %dma_start3A_18 = arith.constant 0 : i32
        %dma_start3A_19 = tpu.memref_slice %arg5[%arg0, %dma_start3A, %dma_start3A_18] : memref<2x10000x128xf32, #tpu.memory_space<hbm>> -> memref<1x10000x128xf32, #tpu.memory_space<hbm>>
        %dma_start3A_20 = tpu.memref_squeeze %dma_start3A_19 : memref<1x10000x128xf32, #tpu.memory_space<hbm>> -> memref<10000x128xf32, #tpu.memory_space<hbm>>
        %dma_start3A_21 = arith.constant 9984 : i32
        %dma_start3A_22 = arith.constant 0 : i32
        %dma_start3A_23 = tpu.memref_slice %dma_start3A_20[%dma_start3A_21, %dma_start3A_22] : memref<10000x128xf32, #tpu.memory_space<hbm>> -> memref<16x128xf32, #tpu.memory_space<hbm>>
        %dma_start3A_24 = arith.constant 9984 : i32
        %dma_start3A_25 = arith.constant 0 : i32
        %dma_start3A_26 = tpu.memref_slice %arg9[%dma_start3A_24, %dma_start3A_25] : memref<10000x128xf32, #tpu.memory_space<vmem_shared>> -> memref<16x128xf32, #tpu.memory_space<vmem_shared>>
        tpu.enqueue_dma source(%dma_start3A_26 : memref<16x128xf32, #tpu.memory_space<vmem_shared>>) target(%dma_start3A_23 : memref<16x128xf32, #tpu.memory_space<hbm>>) target_semaphore(%run_scoped3A : memref<!tpu.dma_semaphore, #tpu.memory_space<semaphore_mem>>)
        %dma_wait3A = arith.constant 0 : i32
        %dma_wait3A_27 = arith.constant 0 : i32
        %dma_wait3A_28 = tpu.memref_slice %arg5[%arg0, %dma_wait3A, %dma_wait3A_27] : memref<2x10000x128xf32, #tpu.memory_space<hbm>> -> memref<1x10000x128xf32, #tpu.memory_space<hbm>>
        %dma_wait3A_29 = tpu.memref_squeeze %dma_wait3A_28 : memref<1x10000x128xf32, #tpu.memory_space<hbm>> -> memref<10000x128xf32, #tpu.memory_space<hbm>>
        %dma_wait3A_30 = arith.constant 9984 : i32
        %dma_wait3A_31 = arith.constant 0 : i32
        %dma_wait3A_32 = tpu.memref_slice %dma_wait3A_29[%dma_wait3A_30, %dma_wait3A_31] : memref<10000x128xf32, #tpu.memory_space<hbm>> -> memref<16x128xf32, #tpu.memory_space<hbm>>
        %dma_wait3A_33 = arith.constant 9984 : i32
        %dma_wait3A_34 = arith.constant 0 : i32
        %dma_wait3A_35 = tpu.memref_slice %arg9[%dma_wait3A_33, %dma_wait3A_34] : memref<10000x128xf32, #tpu.memory_space<vmem_shared>> -> memref<16x128xf32, #tpu.memory_space<vmem_shared>>
        tpu.wait_dma2 semaphore(%run_scoped3A : memref<!tpu.dma_semaphore, #tpu.memory_space<semaphore_mem>>) src(%dma_wait3A_35 : memref<16x128xf32, #tpu.memory_space<vmem_shared>>) dst(%dma_wait3A_32 : memref<16x128xf32, #tpu.memory_space<hbm>>)
        tpu.yield
      }) : () -> ()
    } else {
    }
    return
  }
}

#map = affine_map<(d0, d1) -> (0, 0)>
#map1 = affine_map<(d0, d1) -> (0)>
#map2 = affine_map<(d0, d1) -> (0, 0, 0)>
module attributes {stable_mosaic.version = 14 : i64} {
  func.func @_seg_sum_body(%arg0: i32, %arg1: i32, %arg2: memref<10000x128xf32, #tpu.memory_space<hbm>>, %arg3: memref<320000xi32, #tpu.memory_space<hbm>>, %arg4: memref<320000xi32, #tpu.memory_space<hbm>>, %arg5: memref<2x10000x128xf32, #tpu.memory_space<hbm>>, %arg6: memref<80xi32, #tpu.memory_space<vmem>>, %arg7: memref<80xi32, #tpu.memory_space<vmem>>, %arg8: memref<80x128xf32, #tpu.memory_space<vmem>>, %arg9: memref<10000x128xf32, #tpu.memory_space<vmem_shared>>, %arg10: memref<!tpu.dma_semaphore, #tpu.memory_space<semaphore_mem>>) attributes {dimension_semantics = [#tpu.dimension_semantics<core_parallel>, #tpu.dimension_semantics<subcore_parallel>], iteration_bounds = array<i64: 2, 16>, scalar_prefetch = 0 : i64, scratch_operands = 5 : i64, tpu.core_type = #tpu.core_type<sc_vector_subcore>, window_params = [{transform_indices = #map}, {transform_indices = #map1}, {transform_indices = #map1}, {transform_indices = #map2}]} {
    %mul3A = arith.constant 2 : i32
    %mul3A_0 = arith.muli %arg1, %mul3A : i32
    %add3A = arith.addi %mul3A_0, %arg0 : i32
    %mul3A_1 = arith.constant 624 : i32
    %mul3A_2 = arith.muli %arg1, %mul3A_1 : i32
    "tpu.region"() ({
      %run_scoped3A = tpu.sem_alloc : memref<!tpu.dma_semaphore, #tpu.memory_space<semaphore_mem>>
      %dma_start3A = arith.constant 0 : i32
      %dma_start3A_18 = tpu.memref_slice %arg9[%mul3A_2, %dma_start3A] : memref<10000x128xf32, #tpu.memory_space<vmem_shared>> -> memref<624x128xf32, #tpu.memory_space<vmem_shared>>
      %dma_start3A_19 = arith.constant 0 : i32
      %dma_start3A_20 = tpu.memref_slice %arg2[%mul3A_2, %dma_start3A_19] : memref<10000x128xf32, #tpu.memory_space<hbm>> -> memref<624x128xf32, #tpu.memory_space<hbm>>
      tpu.enqueue_dma source(%dma_start3A_20 : memref<624x128xf32, #tpu.memory_space<hbm>>) target(%dma_start3A_18 : memref<624x128xf32, #tpu.memory_space<vmem_shared>>) target_semaphore(%run_scoped3A : memref<!tpu.dma_semaphore, #tpu.memory_space<semaphore_mem>>)
      %dma_wait3A = arith.constant 0 : i32
      %dma_wait3A_21 = tpu.memref_slice %arg9[%mul3A_2, %dma_wait3A] : memref<10000x128xf32, #tpu.memory_space<vmem_shared>> -> memref<624x128xf32, #tpu.memory_space<vmem_shared>>
      %dma_wait3A_22 = arith.constant 0 : i32
      %dma_wait3A_23 = tpu.memref_slice %arg2[%mul3A_2, %dma_wait3A_22] : memref<10000x128xf32, #tpu.memory_space<hbm>> -> memref<624x128xf32, #tpu.memory_space<hbm>>
      tpu.wait_dma2 semaphore(%run_scoped3A : memref<!tpu.dma_semaphore, #tpu.memory_space<semaphore_mem>>) src(%dma_wait3A_23 : memref<624x128xf32, #tpu.memory_space<hbm>>) dst(%dma_wait3A_21 : memref<624x128xf32, #tpu.memory_space<vmem_shared>>)
      tpu.yield
    }) : () -> ()
    %eq3A = arith.constant 0 : i32
    %eq3A_3 = arith.cmpi eq, %arg1, %eq3A : i32
    %convert_element_type3A = arith.extui %eq3A_3 : i1 to i32
    %cond3A = arith.constant 0 : i32
    %cond3A_4 = arith.cmpi ne, %convert_element_type3A, %cond3A : i32
    scf.if %cond3A_4 {
      "tpu.region"() ({
        %run_scoped3A = tpu.sem_alloc : memref<!tpu.dma_semaphore, #tpu.memory_space<semaphore_mem>>
        %dma_start3A = arith.constant 9984 : i32
        %dma_start3A_18 = arith.constant 0 : i32
        %dma_start3A_19 = tpu.memref_slice %arg9[%dma_start3A, %dma_start3A_18] : memref<10000x128xf32, #tpu.memory_space<vmem_shared>> -> memref<16x128xf32, #tpu.memory_space<vmem_shared>>
        %dma_start3A_20 = arith.constant 9984 : i32
        %dma_start3A_21 = arith.constant 0 : i32
        %dma_start3A_22 = tpu.memref_slice %arg2[%dma_start3A_20, %dma_start3A_21] : memref<10000x128xf32, #tpu.memory_space<hbm>> -> memref<16x128xf32, #tpu.memory_space<hbm>>
        tpu.enqueue_dma source(%dma_start3A_22 : memref<16x128xf32, #tpu.memory_space<hbm>>) target(%dma_start3A_19 : memref<16x128xf32, #tpu.memory_space<vmem_shared>>) target_semaphore(%run_scoped3A : memref<!tpu.dma_semaphore, #tpu.memory_space<semaphore_mem>>)
        %dma_wait3A = arith.constant 9984 : i32
        %dma_wait3A_23 = arith.constant 0 : i32
        %dma_wait3A_24 = tpu.memref_slice %arg9[%dma_wait3A, %dma_wait3A_23] : memref<10000x128xf32, #tpu.memory_space<vmem_shared>> -> memref<16x128xf32, #tpu.memory_space<vmem_shared>>
        %dma_wait3A_25 = arith.constant 9984 : i32
        %dma_wait3A_26 = arith.constant 0 : i32
        %dma_wait3A_27 = tpu.memref_slice %arg2[%dma_wait3A_25, %dma_wait3A_26] : memref<10000x128xf32, #tpu.memory_space<hbm>> -> memref<16x128xf32, #tpu.memory_space<hbm>>
        tpu.wait_dma2 semaphore(%run_scoped3A : memref<!tpu.dma_semaphore, #tpu.memory_space<semaphore_mem>>) src(%dma_wait3A_27 : memref<16x128xf32, #tpu.memory_space<hbm>>) dst(%dma_wait3A_24 : memref<16x128xf32, #tpu.memory_space<vmem_shared>>)
        tpu.yield
      }) : () -> ()
    } else {
    }
    %barrier3A = arith.constant 0 : index
    tpu.barrier barrier_id(%barrier3A)
    %mul3A_5 = arith.constant 10000 : i32
    %mul3A_6 = arith.muli %add3A, %mul3A_5 : i32
    %scan3A = arith.constant 0 : i32
    %scan3A_7 = arith.constant 0 : i32
    %scan3A_8 = arith.constant 125 : i32
    %scan3A_9 = arith.addi %scan3A_7, %scan3A_8 : i32
    %scan3A_10 = arith.constant 1 : i32
    scf.for %scan3A_18 = %scan3A_7 to %scan3A_9 step %scan3A_10  : i32 {
      %mul3A_19 = arith.constant 80 : i32
      %mul3A_20 = arith.muli %scan3A_18, %mul3A_19 : i32
      %add3A_21 = arith.addi %mul3A_6, %mul3A_20 : i32
      "tpu.region"() ({
        %run_scoped3A = tpu.sem_alloc : memref<!tpu.dma_semaphore, #tpu.memory_space<semaphore_mem>>
        %dma_start3A_26 = tpu.memref_slice %arg3[%add3A_21] : memref<320000xi32, #tpu.memory_space<hbm>> -> memref<80xi32, #tpu.memory_space<hbm>>
        %dma_start3A_27 = tpu.memref_slice %arg3[%add3A_21] : memref<320000xi32, #tpu.memory_space<hbm>> -> memref<80xi32, #tpu.memory_space<hbm>>
        tpu.enqueue_dma source(%dma_start3A_27 : memref<80xi32, #tpu.memory_space<hbm>>) target(%arg6 : memref<80xi32, #tpu.memory_space<vmem>>) target_semaphore(%run_scoped3A : memref<!tpu.dma_semaphore, #tpu.memory_space<semaphore_mem>>)
        %dma_wait3A_28 = tpu.memref_slice %arg3[%add3A_21] : memref<320000xi32, #tpu.memory_space<hbm>> -> memref<80xi32, #tpu.memory_space<hbm>>
        %dma_wait3A_29 = tpu.memref_slice %arg3[%add3A_21] : memref<320000xi32, #tpu.memory_space<hbm>> -> memref<80xi32, #tpu.memory_space<hbm>>
        tpu.wait_dma2 semaphore(%run_scoped3A : memref<!tpu.dma_semaphore, #tpu.memory_space<semaphore_mem>>) src(%dma_wait3A_29 : memref<80xi32, #tpu.memory_space<hbm>>) dst(%arg6 : memref<80xi32, #tpu.memory_space<vmem>>)
        tpu.yield
      }) : () -> ()
      "tpu.region"() ({
        %run_scoped3A = tpu.sem_alloc : memref<!tpu.dma_semaphore, #tpu.memory_space<semaphore_mem>>
        %dma_start3A_26 = tpu.memref_slice %arg4[%add3A_21] : memref<320000xi32, #tpu.memory_space<hbm>> -> memref<80xi32, #tpu.memory_space<hbm>>
        %dma_start3A_27 = tpu.memref_slice %arg4[%add3A_21] : memref<320000xi32, #tpu.memory_space<hbm>> -> memref<80xi32, #tpu.memory_space<hbm>>
        tpu.enqueue_dma source(%dma_start3A_27 : memref<80xi32, #tpu.memory_space<hbm>>) target(%arg7 : memref<80xi32, #tpu.memory_space<vmem>>) target_semaphore(%run_scoped3A : memref<!tpu.dma_semaphore, #tpu.memory_space<semaphore_mem>>)
        %dma_wait3A_28 = tpu.memref_slice %arg4[%add3A_21] : memref<320000xi32, #tpu.memory_space<hbm>> -> memref<80xi32, #tpu.memory_space<hbm>>
        %dma_wait3A_29 = tpu.memref_slice %arg4[%add3A_21] : memref<320000xi32, #tpu.memory_space<hbm>> -> memref<80xi32, #tpu.memory_space<hbm>>
        tpu.wait_dma2 semaphore(%run_scoped3A : memref<!tpu.dma_semaphore, #tpu.memory_space<semaphore_mem>>) src(%dma_wait3A_29 : memref<80xi32, #tpu.memory_space<hbm>>) dst(%arg7 : memref<80xi32, #tpu.memory_space<vmem>>)
        tpu.yield
      }) : () -> ()
      %dma_start3A = arith.constant 0 : i32
      %dma_start3A_22 = arith.constant 0 : i32
      %dma_start3A_23 = tpu.memref_slice %arg2[%dma_start3A, %dma_start3A_22] : memref<10000x128xf32, #tpu.memory_space<hbm>> -> memref<10000x128xf32, #tpu.memory_space<hbm>>
      tpu.enqueue_indirect_dma source(%dma_start3A_23 : memref<10000x128xf32, #tpu.memory_space<hbm>>) target(%arg8 : memref<80x128xf32, #tpu.memory_space<vmem>>) offsets(%arg6 : memref<80xi32, #tpu.memory_space<vmem>>) semaphore(%arg10 : memref<!tpu.dma_semaphore, #tpu.memory_space<semaphore_mem>>)
      %dma_wait3A = arith.constant 0 : i32
      %dma_wait3A_24 = arith.constant 0 : i32
      %dma_wait3A_25 = tpu.memref_slice %arg2[%dma_wait3A, %dma_wait3A_24] : memref<10000x128xf32, #tpu.memory_space<hbm>> -> memref<10000x128xf32, #tpu.memory_space<hbm>>
      tpu.wait_indirect_dma semaphore(%arg10 : memref<!tpu.dma_semaphore, #tpu.memory_space<semaphore_mem>>) src(%dma_wait3A_25 : memref<10000x128xf32, #tpu.memory_space<hbm>>) dst(%arg8 : memref<80x128xf32, #tpu.memory_space<vmem>>)
      "tpu.region"() ({
        %run_scoped3A = tpu.sem_alloc : memref<!tpu.dma_semaphore, #tpu.memory_space<semaphore_mem>>
        %dma_start3A_26 = arith.constant 0 : i32
        %dma_start3A_27 = arith.constant 0 : i32
        %dma_start3A_28 = tpu.memref_slice %arg9[%dma_start3A_26, %dma_start3A_27] : memref<10000x128xf32, #tpu.memory_space<vmem_shared>> -> memref<10000x128xf32, #tpu.memory_space<vmem_shared>>
        tpu.enqueue_indirect_dma source(%arg8 : memref<80x128xf32, #tpu.memory_space<vmem>>) target(%dma_start3A_28 : memref<10000x128xf32, #tpu.memory_space<vmem_shared>>) offsets(%arg7 : memref<80xi32, #tpu.memory_space<vmem>>) semaphore(%run_scoped3A : memref<!tpu.dma_semaphore, #tpu.memory_space<semaphore_mem>>) {add = true}
        %dma_wait3A_29 = arith.constant 0 : i32
        %dma_wait3A_30 = arith.constant 0 : i32
        %dma_wait3A_31 = tpu.memref_slice %arg9[%dma_wait3A_29, %dma_wait3A_30] : memref<10000x128xf32, #tpu.memory_space<vmem_shared>> -> memref<10000x128xf32, #tpu.memory_space<vmem_shared>>
        tpu.wait_indirect_dma semaphore(%run_scoped3A : memref<!tpu.dma_semaphore, #tpu.memory_space<semaphore_mem>>) src(%arg8 : memref<80x128xf32, #tpu.memory_space<vmem>>) dst(%dma_wait3A_31 : memref<10000x128xf32, #tpu.memory_space<vmem_shared>>)
        tpu.yield
      }) : () -> ()
    }
    %scan3A_11 = arith.constant 125 : i32
    %barrier3A_12 = arith.constant 0 : index
    tpu.barrier barrier_id(%barrier3A_12)
    "tpu.region"() ({
      %run_scoped3A = tpu.sem_alloc : memref<!tpu.dma_semaphore, #tpu.memory_space<semaphore_mem>>
      %dma_start3A = arith.constant 0 : i32
      %dma_start3A_18 = arith.constant 0 : i32
      %dma_start3A_19 = tpu.memref_slice %arg5[%arg0, %dma_start3A, %dma_start3A_18] : memref<2x10000x128xf32, #tpu.memory_space<hbm>> -> memref<1x10000x128xf32, #tpu.memory_space<hbm>>
      %dma_start3A_20 = tpu.memref_squeeze %dma_start3A_19 : memref<1x10000x128xf32, #tpu.memory_space<hbm>> -> memref<10000x128xf32, #tpu.memory_space<hbm>>
      %dma_start3A_21 = arith.constant 0 : i32
      %dma_start3A_22 = tpu.memref_slice %dma_start3A_20[%mul3A_2, %dma_start3A_21] : memref<10000x128xf32, #tpu.memory_space<hbm>> -> memref<624x128xf32, #tpu.memory_space<hbm>>
      %dma_start3A_23 = arith.constant 0 : i32
      %dma_start3A_24 = tpu.memref_slice %arg9[%mul3A_2, %dma_start3A_23] : memref<10000x128xf32, #tpu.memory_space<vmem_shared>> -> memref<624x128xf32, #tpu.memory_space<vmem_shared>>
      tpu.enqueue_dma source(%dma_start3A_24 : memref<624x128xf32, #tpu.memory_space<vmem_shared>>) target(%dma_start3A_22 : memref<624x128xf32, #tpu.memory_space<hbm>>) target_semaphore(%run_scoped3A : memref<!tpu.dma_semaphore, #tpu.memory_space<semaphore_mem>>)
      %dma_wait3A = arith.constant 0 : i32
      %dma_wait3A_25 = arith.constant 0 : i32
      %dma_wait3A_26 = tpu.memref_slice %arg5[%arg0, %dma_wait3A, %dma_wait3A_25] : memref<2x10000x128xf32, #tpu.memory_space<hbm>> -> memref<1x10000x128xf32, #tpu.memory_space<hbm>>
      %dma_wait3A_27 = tpu.memref_squeeze %dma_wait3A_26 : memref<1x10000x128xf32, #tpu.memory_space<hbm>> -> memref<10000x128xf32, #tpu.memory_space<hbm>>
      %dma_wait3A_28 = arith.constant 0 : i32
      %dma_wait3A_29 = tpu.memref_slice %dma_wait3A_27[%mul3A_2, %dma_wait3A_28] : memref<10000x128xf32, #tpu.memory_space<hbm>> -> memref<624x128xf32, #tpu.memory_space<hbm>>
      %dma_wait3A_30 = arith.constant 0 : i32
      %dma_wait3A_31 = tpu.memref_slice %arg9[%mul3A_2, %dma_wait3A_30] : memref<10000x128xf32, #tpu.memory_space<vmem_shared>> -> memref<624x128xf32, #tpu.memory_space<vmem_shared>>
      tpu.wait_dma2 semaphore(%run_scoped3A : memref<!tpu.dma_semaphore, #tpu.memory_space<semaphore_mem>>) src(%dma_wait3A_31 : memref<624x128xf32, #tpu.memory_space<vmem_shared>>) dst(%dma_wait3A_29 : memref<624x128xf32, #tpu.memory_space<hbm>>)
      tpu.yield
    }) : () -> ()
    %eq3A_13 = arith.constant 0 : i32
    %eq3A_14 = arith.cmpi eq, %arg1, %eq3A_13 : i32
    %convert_element_type3A_15 = arith.extui %eq3A_14 : i1 to i32
    %cond3A_16 = arith.constant 0 : i32
    %cond3A_17 = arith.cmpi ne, %convert_element_type3A_15, %cond3A_16 : i32
    scf.if %cond3A_17 {
      "tpu.region"() ({
        %run_scoped3A = tpu.sem_alloc : memref<!tpu.dma_semaphore, #tpu.memory_space<semaphore_mem>>
        %dma_start3A = arith.constant 0 : i32
        %dma_start3A_18 = arith.constant 0 : i32
        %dma_start3A_19 = tpu.memref_slice %arg5[%arg0, %dma_start3A, %dma_start3A_18] : memref<2x10000x128xf32, #tpu.memory_space<hbm>> -> memref<1x10000x128xf32, #tpu.memory_space<hbm>>
        %dma_start3A_20 = tpu.memref_squeeze %dma_start3A_19 : memref<1x10000x128xf32, #tpu.memory_space<hbm>> -> memref<10000x128xf32, #tpu.memory_space<hbm>>
        %dma_start3A_21 = arith.constant 9984 : i32
        %dma_start3A_22 = arith.constant 0 : i32
        %dma_start3A_23 = tpu.memref_slice %dma_start3A_20[%dma_start3A_21, %dma_start3A_22] : memref<10000x128xf32, #tpu.memory_space<hbm>> -> memref<16x128xf32, #tpu.memory_space<hbm>>
        %dma_start3A_24 = arith.constant 9984 : i32
        %dma_start3A_25 = arith.constant 0 : i32
        %dma_start3A_26 = tpu.memref_slice %arg9[%dma_start3A_24, %dma_start3A_25] : memref<10000x128xf32, #tpu.memory_space<vmem_shared>> -> memref<16x128xf32, #tpu.memory_space<vmem_shared>>
        tpu.enqueue_dma source(%dma_start3A_26 : memref<16x128xf32, #tpu.memory_space<vmem_shared>>) target(%dma_start3A_23 : memref<16x128xf32, #tpu.memory_space<hbm>>) target_semaphore(%run_scoped3A : memref<!tpu.dma_semaphore, #tpu.memory_space<semaphore_mem>>)
        %dma_wait3A = arith.constant 0 : i32
        %dma_wait3A_27 = arith.constant 0 : i32
        %dma_wait3A_28 = tpu.memref_slice %arg5[%arg0, %dma_wait3A, %dma_wait3A_27] : memref<2x10000x128xf32, #tpu.memory_space<hbm>> -> memref<1x10000x128xf32, #tpu.memory_space<hbm>>
        %dma_wait3A_29 = tpu.memref_squeeze %dma_wait3A_28 : memref<1x10000x128xf32, #tpu.memory_space<hbm>> -> memref<10000x128xf32, #tpu.memory_space<hbm>>
        %dma_wait3A_30 = arith.constant 9984 : i32
        %dma_wait3A_31 = arith.constant 0 : i32
        %dma_wait3A_32 = tpu.memref_slice %dma_wait3A_29[%dma_wait3A_30, %dma_wait3A_31] : memref<10000x128xf32, #tpu.memory_space<hbm>> -> memref<16x128xf32, #tpu.memory_space<hbm>>
        %dma_wait3A_33 = arith.constant 9984 : i32
        %dma_wait3A_34 = arith.constant 0 : i32
        %dma_wait3A_35 = tpu.memref_slice %arg9[%dma_wait3A_33, %dma_wait3A_34] : memref<10000x128xf32, #tpu.memory_space<vmem_shared>> -> memref<16x128xf32, #tpu.memory_space<vmem_shared>>
        tpu.wait_dma2 semaphore(%run_scoped3A : memref<!tpu.dma_semaphore, #tpu.memory_space<semaphore_mem>>) src(%dma_wait3A_35 : memref<16x128xf32, #tpu.memory_space<vmem_shared>>) dst(%dma_wait3A_32 : memref<16x128xf32, #tpu.memory_space<hbm>>)
        tpu.yield
      }) : () -> ()
    } else {
    }
    return
  }
}

#map = affine_map<(d0, d1) -> (0, 0)>
#map1 = affine_map<(d0, d1) -> (0)>
#map2 = affine_map<(d0, d1) -> (0, 0, 0)>
module attributes {stable_mosaic.version = 14 : i64} {
  func.func @_seg_sum_body(%arg0: i32, %arg1: i32, %arg2: memref<10000x128xf32, #tpu.memory_space<hbm>>, %arg3: memref<320000xi32, #tpu.memory_space<hbm>>, %arg4: memref<320000xi32, #tpu.memory_space<hbm>>, %arg5: memref<2x10000x128xf32, #tpu.memory_space<hbm>>, %arg6: memref<80xi32, #tpu.memory_space<vmem>>, %arg7: memref<80xi32, #tpu.memory_space<vmem>>, %arg8: memref<80x128xf32, #tpu.memory_space<vmem>>, %arg9: memref<10000x128xf32, #tpu.memory_space<vmem_shared>>, %arg10: memref<!tpu.dma_semaphore, #tpu.memory_space<semaphore_mem>>) attributes {dimension_semantics = [#tpu.dimension_semantics<core_parallel>, #tpu.dimension_semantics<subcore_parallel>], iteration_bounds = array<i64: 2, 16>, scalar_prefetch = 0 : i64, scratch_operands = 5 : i64, tpu.core_type = #tpu.core_type<sc_vector_subcore>, window_params = [{transform_indices = #map}, {transform_indices = #map1}, {transform_indices = #map1}, {transform_indices = #map2}]} {
    %mul3A = arith.constant 2 : i32
    %mul3A_0 = arith.muli %arg1, %mul3A : i32
    %add3A = arith.addi %mul3A_0, %arg0 : i32
    %mul3A_1 = arith.constant 624 : i32
    %mul3A_2 = arith.muli %arg1, %mul3A_1 : i32
    "tpu.region"() ({
      %run_scoped3A = tpu.sem_alloc : memref<!tpu.dma_semaphore, #tpu.memory_space<semaphore_mem>>
      %dma_start3A = arith.constant 0 : i32
      %dma_start3A_18 = tpu.memref_slice %arg9[%mul3A_2, %dma_start3A] : memref<10000x128xf32, #tpu.memory_space<vmem_shared>> -> memref<624x128xf32, #tpu.memory_space<vmem_shared>>
      %dma_start3A_19 = arith.constant 0 : i32
      %dma_start3A_20 = tpu.memref_slice %arg2[%mul3A_2, %dma_start3A_19] : memref<10000x128xf32, #tpu.memory_space<hbm>> -> memref<624x128xf32, #tpu.memory_space<hbm>>
      tpu.enqueue_dma source(%dma_start3A_20 : memref<624x128xf32, #tpu.memory_space<hbm>>) target(%dma_start3A_18 : memref<624x128xf32, #tpu.memory_space<vmem_shared>>) target_semaphore(%run_scoped3A : memref<!tpu.dma_semaphore, #tpu.memory_space<semaphore_mem>>)
      %dma_wait3A = arith.constant 0 : i32
      %dma_wait3A_21 = tpu.memref_slice %arg9[%mul3A_2, %dma_wait3A] : memref<10000x128xf32, #tpu.memory_space<vmem_shared>> -> memref<624x128xf32, #tpu.memory_space<vmem_shared>>
      %dma_wait3A_22 = arith.constant 0 : i32
      %dma_wait3A_23 = tpu.memref_slice %arg2[%mul3A_2, %dma_wait3A_22] : memref<10000x128xf32, #tpu.memory_space<hbm>> -> memref<624x128xf32, #tpu.memory_space<hbm>>
      tpu.wait_dma2 semaphore(%run_scoped3A : memref<!tpu.dma_semaphore, #tpu.memory_space<semaphore_mem>>) src(%dma_wait3A_23 : memref<624x128xf32, #tpu.memory_space<hbm>>) dst(%dma_wait3A_21 : memref<624x128xf32, #tpu.memory_space<vmem_shared>>)
      tpu.yield
    }) : () -> ()
    %eq3A = arith.constant 0 : i32
    %eq3A_3 = arith.cmpi eq, %arg1, %eq3A : i32
    %convert_element_type3A = arith.extui %eq3A_3 : i1 to i32
    %cond3A = arith.constant 0 : i32
    %cond3A_4 = arith.cmpi ne, %convert_element_type3A, %cond3A : i32
    scf.if %cond3A_4 {
      "tpu.region"() ({
        %run_scoped3A = tpu.sem_alloc : memref<!tpu.dma_semaphore, #tpu.memory_space<semaphore_mem>>
        %dma_start3A = arith.constant 9984 : i32
        %dma_start3A_18 = arith.constant 0 : i32
        %dma_start3A_19 = tpu.memref_slice %arg9[%dma_start3A, %dma_start3A_18] : memref<10000x128xf32, #tpu.memory_space<vmem_shared>> -> memref<16x128xf32, #tpu.memory_space<vmem_shared>>
        %dma_start3A_20 = arith.constant 9984 : i32
        %dma_start3A_21 = arith.constant 0 : i32
        %dma_start3A_22 = tpu.memref_slice %arg2[%dma_start3A_20, %dma_start3A_21] : memref<10000x128xf32, #tpu.memory_space<hbm>> -> memref<16x128xf32, #tpu.memory_space<hbm>>
        tpu.enqueue_dma source(%dma_start3A_22 : memref<16x128xf32, #tpu.memory_space<hbm>>) target(%dma_start3A_19 : memref<16x128xf32, #tpu.memory_space<vmem_shared>>) target_semaphore(%run_scoped3A : memref<!tpu.dma_semaphore, #tpu.memory_space<semaphore_mem>>)
        %dma_wait3A = arith.constant 9984 : i32
        %dma_wait3A_23 = arith.constant 0 : i32
        %dma_wait3A_24 = tpu.memref_slice %arg9[%dma_wait3A, %dma_wait3A_23] : memref<10000x128xf32, #tpu.memory_space<vmem_shared>> -> memref<16x128xf32, #tpu.memory_space<vmem_shared>>
        %dma_wait3A_25 = arith.constant 9984 : i32
        %dma_wait3A_26 = arith.constant 0 : i32
        %dma_wait3A_27 = tpu.memref_slice %arg2[%dma_wait3A_25, %dma_wait3A_26] : memref<10000x128xf32, #tpu.memory_space<hbm>> -> memref<16x128xf32, #tpu.memory_space<hbm>>
        tpu.wait_dma2 semaphore(%run_scoped3A : memref<!tpu.dma_semaphore, #tpu.memory_space<semaphore_mem>>) src(%dma_wait3A_27 : memref<16x128xf32, #tpu.memory_space<hbm>>) dst(%dma_wait3A_24 : memref<16x128xf32, #tpu.memory_space<vmem_shared>>)
        tpu.yield
      }) : () -> ()
    } else {
    }
    %barrier3A = arith.constant 0 : index
    tpu.barrier barrier_id(%barrier3A)
    %mul3A_5 = arith.constant 10000 : i32
    %mul3A_6 = arith.muli %add3A, %mul3A_5 : i32
    %scan3A = arith.constant 0 : i32
    %scan3A_7 = arith.constant 0 : i32
    %scan3A_8 = arith.constant 125 : i32
    %scan3A_9 = arith.addi %scan3A_7, %scan3A_8 : i32
    %scan3A_10 = arith.constant 1 : i32
    scf.for %scan3A_18 = %scan3A_7 to %scan3A_9 step %scan3A_10  : i32 {
      %mul3A_19 = arith.constant 80 : i32
      %mul3A_20 = arith.muli %scan3A_18, %mul3A_19 : i32
      %add3A_21 = arith.addi %mul3A_6, %mul3A_20 : i32
      "tpu.region"() ({
        %run_scoped3A = tpu.sem_alloc : memref<!tpu.dma_semaphore, #tpu.memory_space<semaphore_mem>>
        %dma_start3A_26 = tpu.memref_slice %arg3[%add3A_21] : memref<320000xi32, #tpu.memory_space<hbm>> -> memref<80xi32, #tpu.memory_space<hbm>>
        %dma_start3A_27 = tpu.memref_slice %arg3[%add3A_21] : memref<320000xi32, #tpu.memory_space<hbm>> -> memref<80xi32, #tpu.memory_space<hbm>>
        tpu.enqueue_dma source(%dma_start3A_27 : memref<80xi32, #tpu.memory_space<hbm>>) target(%arg6 : memref<80xi32, #tpu.memory_space<vmem>>) target_semaphore(%run_scoped3A : memref<!tpu.dma_semaphore, #tpu.memory_space<semaphore_mem>>)
        %dma_wait3A_28 = tpu.memref_slice %arg3[%add3A_21] : memref<320000xi32, #tpu.memory_space<hbm>> -> memref<80xi32, #tpu.memory_space<hbm>>
        %dma_wait3A_29 = tpu.memref_slice %arg3[%add3A_21] : memref<320000xi32, #tpu.memory_space<hbm>> -> memref<80xi32, #tpu.memory_space<hbm>>
        tpu.wait_dma2 semaphore(%run_scoped3A : memref<!tpu.dma_semaphore, #tpu.memory_space<semaphore_mem>>) src(%dma_wait3A_29 : memref<80xi32, #tpu.memory_space<hbm>>) dst(%arg6 : memref<80xi32, #tpu.memory_space<vmem>>)
        tpu.yield
      }) : () -> ()
      "tpu.region"() ({
        %run_scoped3A = tpu.sem_alloc : memref<!tpu.dma_semaphore, #tpu.memory_space<semaphore_mem>>
        %dma_start3A_26 = tpu.memref_slice %arg4[%add3A_21] : memref<320000xi32, #tpu.memory_space<hbm>> -> memref<80xi32, #tpu.memory_space<hbm>>
        %dma_start3A_27 = tpu.memref_slice %arg4[%add3A_21] : memref<320000xi32, #tpu.memory_space<hbm>> -> memref<80xi32, #tpu.memory_space<hbm>>
        tpu.enqueue_dma source(%dma_start3A_27 : memref<80xi32, #tpu.memory_space<hbm>>) target(%arg7 : memref<80xi32, #tpu.memory_space<vmem>>) target_semaphore(%run_scoped3A : memref<!tpu.dma_semaphore, #tpu.memory_space<semaphore_mem>>)
        %dma_wait3A_28 = tpu.memref_slice %arg4[%add3A_21] : memref<320000xi32, #tpu.memory_space<hbm>> -> memref<80xi32, #tpu.memory_space<hbm>>
        %dma_wait3A_29 = tpu.memref_slice %arg4[%add3A_21] : memref<320000xi32, #tpu.memory_space<hbm>> -> memref<80xi32, #tpu.memory_space<hbm>>
        tpu.wait_dma2 semaphore(%run_scoped3A : memref<!tpu.dma_semaphore, #tpu.memory_space<semaphore_mem>>) src(%dma_wait3A_29 : memref<80xi32, #tpu.memory_space<hbm>>) dst(%arg7 : memref<80xi32, #tpu.memory_space<vmem>>)
        tpu.yield
      }) : () -> ()
      %dma_start3A = arith.constant 0 : i32
      %dma_start3A_22 = arith.constant 0 : i32
      %dma_start3A_23 = tpu.memref_slice %arg2[%dma_start3A, %dma_start3A_22] : memref<10000x128xf32, #tpu.memory_space<hbm>> -> memref<10000x128xf32, #tpu.memory_space<hbm>>
      tpu.enqueue_indirect_dma source(%dma_start3A_23 : memref<10000x128xf32, #tpu.memory_space<hbm>>) target(%arg8 : memref<80x128xf32, #tpu.memory_space<vmem>>) offsets(%arg6 : memref<80xi32, #tpu.memory_space<vmem>>) semaphore(%arg10 : memref<!tpu.dma_semaphore, #tpu.memory_space<semaphore_mem>>)
      %dma_wait3A = arith.constant 0 : i32
      %dma_wait3A_24 = arith.constant 0 : i32
      %dma_wait3A_25 = tpu.memref_slice %arg2[%dma_wait3A, %dma_wait3A_24] : memref<10000x128xf32, #tpu.memory_space<hbm>> -> memref<10000x128xf32, #tpu.memory_space<hbm>>
      tpu.wait_indirect_dma semaphore(%arg10 : memref<!tpu.dma_semaphore, #tpu.memory_space<semaphore_mem>>) src(%dma_wait3A_25 : memref<10000x128xf32, #tpu.memory_space<hbm>>) dst(%arg8 : memref<80x128xf32, #tpu.memory_space<vmem>>)
      "tpu.region"() ({
        %run_scoped3A = tpu.sem_alloc : memref<!tpu.dma_semaphore, #tpu.memory_space<semaphore_mem>>
        %dma_start3A_26 = arith.constant 0 : i32
        %dma_start3A_27 = arith.constant 0 : i32
        %dma_start3A_28 = tpu.memref_slice %arg9[%dma_start3A_26, %dma_start3A_27] : memref<10000x128xf32, #tpu.memory_space<vmem_shared>> -> memref<10000x128xf32, #tpu.memory_space<vmem_shared>>
        tpu.enqueue_indirect_dma source(%arg8 : memref<80x128xf32, #tpu.memory_space<vmem>>) target(%dma_start3A_28 : memref<10000x128xf32, #tpu.memory_space<vmem_shared>>) offsets(%arg7 : memref<80xi32, #tpu.memory_space<vmem>>) semaphore(%run_scoped3A : memref<!tpu.dma_semaphore, #tpu.memory_space<semaphore_mem>>) {add = true}
        %dma_wait3A_29 = arith.constant 0 : i32
        %dma_wait3A_30 = arith.constant 0 : i32
        %dma_wait3A_31 = tpu.memref_slice %arg9[%dma_wait3A_29, %dma_wait3A_30] : memref<10000x128xf32, #tpu.memory_space<vmem_shared>> -> memref<10000x128xf32, #tpu.memory_space<vmem_shared>>
        tpu.wait_indirect_dma semaphore(%run_scoped3A : memref<!tpu.dma_semaphore, #tpu.memory_space<semaphore_mem>>) src(%arg8 : memref<80x128xf32, #tpu.memory_space<vmem>>) dst(%dma_wait3A_31 : memref<10000x128xf32, #tpu.memory_space<vmem_shared>>)
        tpu.yield
      }) : () -> ()
    }
    %scan3A_11 = arith.constant 125 : i32
    %barrier3A_12 = arith.constant 0 : index
    tpu.barrier barrier_id(%barrier3A_12)
    "tpu.region"() ({
      %run_scoped3A = tpu.sem_alloc : memref<!tpu.dma_semaphore, #tpu.memory_space<semaphore_mem>>
      %dma_start3A = arith.constant 0 : i32
      %dma_start3A_18 = arith.constant 0 : i32
      %dma_start3A_19 = tpu.memref_slice %arg5[%arg0, %dma_start3A, %dma_start3A_18] : memref<2x10000x128xf32, #tpu.memory_space<hbm>> -> memref<1x10000x128xf32, #tpu.memory_space<hbm>>
      %dma_start3A_20 = tpu.memref_squeeze %dma_start3A_19 : memref<1x10000x128xf32, #tpu.memory_space<hbm>> -> memref<10000x128xf32, #tpu.memory_space<hbm>>
      %dma_start3A_21 = arith.constant 0 : i32
      %dma_start3A_22 = tpu.memref_slice %dma_start3A_20[%mul3A_2, %dma_start3A_21] : memref<10000x128xf32, #tpu.memory_space<hbm>> -> memref<624x128xf32, #tpu.memory_space<hbm>>
      %dma_start3A_23 = arith.constant 0 : i32
      %dma_start3A_24 = tpu.memref_slice %arg9[%mul3A_2, %dma_start3A_23] : memref<10000x128xf32, #tpu.memory_space<vmem_shared>> -> memref<624x128xf32, #tpu.memory_space<vmem_shared>>
      tpu.enqueue_dma source(%dma_start3A_24 : memref<624x128xf32, #tpu.memory_space<vmem_shared>>) target(%dma_start3A_22 : memref<624x128xf32, #tpu.memory_space<hbm>>) target_semaphore(%run_scoped3A : memref<!tpu.dma_semaphore, #tpu.memory_space<semaphore_mem>>)
      %dma_wait3A = arith.constant 0 : i32
      %dma_wait3A_25 = arith.constant 0 : i32
      %dma_wait3A_26 = tpu.memref_slice %arg5[%arg0, %dma_wait3A, %dma_wait3A_25] : memref<2x10000x128xf32, #tpu.memory_space<hbm>> -> memref<1x10000x128xf32, #tpu.memory_space<hbm>>
      %dma_wait3A_27 = tpu.memref_squeeze %dma_wait3A_26 : memref<1x10000x128xf32, #tpu.memory_space<hbm>> -> memref<10000x128xf32, #tpu.memory_space<hbm>>
      %dma_wait3A_28 = arith.constant 0 : i32
      %dma_wait3A_29 = tpu.memref_slice %dma_wait3A_27[%mul3A_2, %dma_wait3A_28] : memref<10000x128xf32, #tpu.memory_space<hbm>> -> memref<624x128xf32, #tpu.memory_space<hbm>>
      %dma_wait3A_30 = arith.constant 0 : i32
      %dma_wait3A_31 = tpu.memref_slice %arg9[%mul3A_2, %dma_wait3A_30] : memref<10000x128xf32, #tpu.memory_space<vmem_shared>> -> memref<624x128xf32, #tpu.memory_space<vmem_shared>>
      tpu.wait_dma2 semaphore(%run_scoped3A : memref<!tpu.dma_semaphore, #tpu.memory_space<semaphore_mem>>) src(%dma_wait3A_31 : memref<624x128xf32, #tpu.memory_space<vmem_shared>>) dst(%dma_wait3A_29 : memref<624x128xf32, #tpu.memory_space<hbm>>)
      tpu.yield
    }) : () -> ()
    %eq3A_13 = arith.constant 0 : i32
    %eq3A_14 = arith.cmpi eq, %arg1, %eq3A_13 : i32
    %convert_element_type3A_15 = arith.extui %eq3A_14 : i1 to i32
    %cond3A_16 = arith.constant 0 : i32
    %cond3A_17 = arith.cmpi ne, %convert_element_type3A_15, %cond3A_16 : i32
    scf.if %cond3A_17 {
      "tpu.region"() ({
        %run_scoped3A = tpu.sem_alloc : memref<!tpu.dma_semaphore, #tpu.memory_space<semaphore_mem>>
        %dma_start3A = arith.constant 0 : i32
        %dma_start3A_18 = arith.constant 0 : i32
        %dma_start3A_19 = tpu.memref_slice %arg5[%arg0, %dma_start3A, %dma_start3A_18] : memref<2x10000x128xf32, #tpu.memory_space<hbm>> -> memref<1x10000x128xf32, #tpu.memory_space<hbm>>
        %dma_start3A_20 = tpu.memref_squeeze %dma_start3A_19 : memref<1x10000x128xf32, #tpu.memory_space<hbm>> -> memref<10000x128xf32, #tpu.memory_space<hbm>>
        %dma_start3A_21 = arith.constant 9984 : i32
        %dma_start3A_22 = arith.constant 0 : i32
        %dma_start3A_23 = tpu.memref_slice %dma_start3A_20[%dma_start3A_21, %dma_start3A_22] : memref<10000x128xf32, #tpu.memory_space<hbm>> -> memref<16x128xf32, #tpu.memory_space<hbm>>
        %dma_start3A_24 = arith.constant 9984 : i32
        %dma_start3A_25 = arith.constant 0 : i32
        %dma_start3A_26 = tpu.memref_slice %arg9[%dma_start3A_24, %dma_start3A_25] : memref<10000x128xf32, #tpu.memory_space<vmem_shared>> -> memref<16x128xf32, #tpu.memory_space<vmem_shared>>
        tpu.enqueue_dma source(%dma_start3A_26 : memref<16x128xf32, #tpu.memory_space<vmem_shared>>) target(%dma_start3A_23 : memref<16x128xf32, #tpu.memory_space<hbm>>) target_semaphore(%run_scoped3A : memref<!tpu.dma_semaphore, #tpu.memory_space<semaphore_mem>>)
        %dma_wait3A = arith.constant 0 : i32
        %dma_wait3A_27 = arith.constant 0 : i32
        %dma_wait3A_28 = tpu.memref_slice %arg5[%arg0, %dma_wait3A, %dma_wait3A_27] : memref<2x10000x128xf32, #tpu.memory_space<hbm>> -> memref<1x10000x128xf32, #tpu.memory_space<hbm>>
        %dma_wait3A_29 = tpu.memref_squeeze %dma_wait3A_28 : memref<1x10000x128xf32, #tpu.memory_space<hbm>> -> memref<10000x128xf32, #tpu.memory_space<hbm>>
        %dma_wait3A_30 = arith.constant 9984 : i32
        %dma_wait3A_31 = arith.constant 0 : i32
        %dma_wait3A_32 = tpu.memref_slice %dma_wait3A_29[%dma_wait3A_30, %dma_wait3A_31] : memref<10000x128xf32, #tpu.memory_space<hbm>> -> memref<16x128xf32, #tpu.memory_space<hbm>>
        %dma_wait3A_33 = arith.constant 9984 : i32
        %dma_wait3A_34 = arith.constant 0 : i32
        %dma_wait3A_35 = tpu.memref_slice %arg9[%dma_wait3A_33, %dma_wait3A_34] : memref<10000x128xf32, #tpu.memory_space<vmem_shared>> -> memref<16x128xf32, #tpu.memory_space<vmem_shared>>
        tpu.wait_dma2 semaphore(%run_scoped3A : memref<!tpu.dma_semaphore, #tpu.memory_space<semaphore_mem>>) src(%dma_wait3A_35 : memref<16x128xf32, #tpu.memory_space<vmem_shared>>) dst(%dma_wait3A_32 : memref<16x128xf32, #tpu.memory_space<hbm>>)
        tpu.yield
      }) : () -> ()
    } else {
    }
    return
  }
}

module attributes {stable_mosaic.version = 14 : i64} {
  func.func @_mlp_body(%arg0: memref<10000x128xf32, #tpu.memory_space<vmem>>, %arg1: memref<2x10000x128xf32, #tpu.memory_space<vmem>>, %arg2: memref<1x10000xi32, #tpu.memory_space<vmem>>, %arg3: memref<128x128xf32, #tpu.memory_space<vmem>>, %arg4: memref<1x128xf32, #tpu.memory_space<vmem>>, %arg5: memref<128x128xf32, #tpu.memory_space<vmem>>, %arg6: memref<1x128xf32, #tpu.memory_space<vmem>>, %arg7: memref<1x128xf32, #tpu.memory_space<vmem>>, %arg8: memref<1x128xf32, #tpu.memory_space<vmem>>, %arg9: memref<10000x128xf32, #tpu.memory_space<vmem>>, %arg10: memref<64x128xf32, #tpu.memory_space<vmem>>) attributes {dimension_semantics = [], scalar_prefetch = 0 : i64, scratch_operands = 0 : i64, tpu.core_type = #tpu.core_type<tc>} {
    %get3A = arith.constant 0 : index
    %get3A_0 = arith.constant 0 : index
    %get3A_1 = arith.constant 0 : index
    %get3A_2 = vector.load %arg1[%get3A, %get3A_0, %get3A_1] : memref<2x10000x128xf32, #tpu.memory_space<vmem>>, vector<1x10000x128xf32>
    %get3A_3 = vector.shape_cast %get3A_2 : vector<1x10000x128xf32> to vector<10000x128xf32>
    %get3A_4 = arith.constant 1 : index
    %get3A_5 = arith.constant 0 : index
    %get3A_6 = arith.constant 0 : index
    %get3A_7 = vector.load %arg1[%get3A_4, %get3A_5, %get3A_6] : memref<2x10000x128xf32, #tpu.memory_space<vmem>>, vector<1x10000x128xf32>
    %get3A_8 = vector.shape_cast %get3A_7 : vector<1x10000x128xf32> to vector<10000x128xf32>
    %add3A = arith.addf %get3A_3, %get3A_8 : vector<10000x128xf32>
    %get3A_9 = arith.constant 0 : index
    %get3A_10 = arith.constant 0 : index
    %get3A_11 = vector.load %arg0[%get3A_9, %get3A_10] : memref<10000x128xf32, #tpu.memory_space<vmem>>, vector<10000x128xf32>
    %sub3A = arith.subf %add3A, %get3A_11 : vector<10000x128xf32>
    %get3A_12 = arith.constant 0 : index
    %get3A_13 = arith.constant 0 : index
    %get3A_14 = vector.load %arg3[%get3A_12, %get3A_13] : memref<128x128xf32, #tpu.memory_space<vmem>>, vector<128x128xf32>
    %dot_general3A = arith.constant dense<0.000000e+00> : vector<10000x128xf32>
    %dot_general3A_15 = tpu.matmul %sub3A, %get3A_14, %dot_general3A {dimension_numbers = #tpu.dot_dimension_numbers<[1], [1], [0], [0], [0, 0, 1, 0], [], []>, transpose_lhs_hint = false} : vector<10000x128xf32>, vector<128x128xf32>, vector<10000x128xf32> -> vector<10000x128xf32>
    %get3A_16 = arith.constant 0 : index
    %get3A_17 = arith.constant 0 : index
    %get3A_18 = vector.load %arg4[%get3A_16, %get3A_17] : memref<1x128xf32, #tpu.memory_space<vmem>>, vector<1x128xf32>
    %add3A_19 = vector.broadcast %get3A_18 : vector<1x128xf32> to vector<10000x128xf32>
    %add3A_20 = arith.addf %dot_general3A_15, %add3A_19 : vector<10000x128xf32>
    %max3A = arith.constant 0.000000e+00 : f32
    %max3A_21 = vector.broadcast %max3A : f32 to vector<10000x128xf32>
    %max3A_22 = arith.maximumf %add3A_20, %max3A_21 : vector<10000x128xf32>
    %get3A_23 = arith.constant 0 : index
    %get3A_24 = arith.constant 0 : index
    %get3A_25 = vector.load %arg5[%get3A_23, %get3A_24] : memref<128x128xf32, #tpu.memory_space<vmem>>, vector<128x128xf32>
    %dot_general3A_26 = arith.constant dense<0.000000e+00> : vector<10000x128xf32>
    %dot_general3A_27 = tpu.matmul %max3A_22, %get3A_25, %dot_general3A_26 {dimension_numbers = #tpu.dot_dimension_numbers<[1], [1], [0], [0], [0, 0, 1, 0], [], []>, transpose_lhs_hint = false} : vector<10000x128xf32>, vector<128x128xf32>, vector<10000x128xf32> -> vector<10000x128xf32>
    %get3A_28 = arith.constant 0 : index
    %get3A_29 = arith.constant 0 : index
    %get3A_30 = vector.load %arg6[%get3A_28, %get3A_29] : memref<1x128xf32, #tpu.memory_space<vmem>>, vector<1x128xf32>
    %add3A_31 = vector.broadcast %get3A_30 : vector<1x128xf32> to vector<10000x128xf32>
    %add3A_32 = arith.addf %dot_general3A_27, %add3A_31 : vector<10000x128xf32>
    %max3A_33 = arith.constant 0.000000e+00 : f32
    %max3A_34 = vector.broadcast %max3A_33 : f32 to vector<10000x128xf32>
    %max3A_35 = arith.maximumf %add3A_32, %max3A_34 : vector<10000x128xf32>
    %reduce_sum3A = arith.constant dense<0.000000e+00> : vector<128xf32>
    %reduce_sum3A_36 = vector.multi_reduction <add>, %max3A_35, %reduce_sum3A [0] : vector<10000x128xf32> to vector<128xf32>
    %broadcast_in_dim3A = vector.shape_cast %reduce_sum3A_36 : vector<128xf32> to vector<1x128xf32>
    %div3A = arith.constant 1.000000e+04 : f32
    %div3A_37 = vector.broadcast %div3A : f32 to vector<1x128xf32>
    %div3A_38 = arith.divf %broadcast_in_dim3A, %div3A_37 : vector<1x128xf32>
    %sub3A_39 = vector.broadcast %div3A_38 : vector<1x128xf32> to vector<10000x128xf32>
    %sub3A_40 = arith.subf %max3A_35, %sub3A_39 : vector<10000x128xf32>
    %integer_pow3A = arith.mulf %sub3A_40, %sub3A_40 : vector<10000x128xf32>
    %reduce_sum3A_41 = arith.constant dense<0.000000e+00> : vector<128xf32>
    %reduce_sum3A_42 = vector.multi_reduction <add>, %integer_pow3A, %reduce_sum3A_41 [0] : vector<10000x128xf32> to vector<128xf32>
    %broadcast_in_dim3A_43 = vector.shape_cast %reduce_sum3A_42 : vector<128xf32> to vector<1x128xf32>
    %div3A_44 = arith.constant 1.000000e+04 : f32
    %div3A_45 = vector.broadcast %div3A_44 : f32 to vector<1x128xf32>
    %div3A_46 = arith.divf %broadcast_in_dim3A_43, %div3A_45 : vector<1x128xf32>
    %sub3A_47 = vector.broadcast %div3A_38 : vector<1x128xf32> to vector<10000x128xf32>
    %sub3A_48 = arith.subf %max3A_35, %sub3A_47 : vector<10000x128xf32>
    %add3A_49 = arith.constant 9.99999974E-6 : f32
    %add3A_50 = vector.broadcast %add3A_49 : f32 to vector<1x128xf32>
    %add3A_51 = arith.addf %div3A_46, %add3A_50 : vector<1x128xf32>
    %rsqrt3A = math.rsqrt %add3A_51 : vector<1x128xf32>
    %mul3A = vector.broadcast %rsqrt3A : vector<1x128xf32> to vector<10000x128xf32>
    %mul3A_52 = arith.mulf %sub3A_48, %mul3A : vector<10000x128xf32>
    %get3A_53 = arith.constant 0 : index
    %get3A_54 = arith.constant 0 : index
    %get3A_55 = vector.load %arg7[%get3A_53, %get3A_54] : memref<1x128xf32, #tpu.memory_space<vmem>>, vector<1x128xf32>
    %mul3A_56 = vector.broadcast %get3A_55 : vector<1x128xf32> to vector<10000x128xf32>
    %mul3A_57 = arith.mulf %mul3A_52, %mul3A_56 : vector<10000x128xf32>
    %get3A_58 = arith.constant 0 : index
    %get3A_59 = arith.constant 0 : index
    %get3A_60 = vector.load %arg8[%get3A_58, %get3A_59] : memref<1x128xf32, #tpu.memory_space<vmem>>, vector<1x128xf32>
    %add3A_61 = vector.broadcast %get3A_60 : vector<1x128xf32> to vector<10000x128xf32>
    %add3A_62 = arith.addf %mul3A_57, %add3A_61 : vector<10000x128xf32>
    %swap3A = arith.constant 0 : index
    %swap3A_63 = arith.constant 0 : index
    %swap3A_64 = vector.load %arg9[%swap3A, %swap3A_63] : memref<10000x128xf32, #tpu.memory_space<vmem>>, vector<10000x128xf32>
    tpu.vector_store %arg9[%swap3A, %swap3A_63], %add3A_62 {strides = array<i32>} : memref<10000x128xf32, #tpu.memory_space<vmem>>, vector<10000x128xf32>,
    %iota3A = tpu.iota {dimensions = array<i32: 0>} : vector<64x10000xi32>
    %get3A_65 = arith.constant 0 : index
    %get3A_66 = arith.constant 0 : index
    %get3A_67 = vector.load %arg2[%get3A_65, %get3A_66] : memref<1x10000xi32, #tpu.memory_space<vmem>>, vector<1x10000xi32>
    %eq3A = vector.broadcast %get3A_67 : vector<1x10000xi32> to vector<64x10000xi32>
    %eq3A_68 = arith.cmpi eq, %iota3A, %eq3A : vector<64x10000xi32>
    %convert_element_type3A = arith.extui %eq3A_68 : vector<64x10000xi1> to vector<64x10000xi32>
    %convert_element_type3A_69 = arith.sitofp %convert_element_type3A : vector<64x10000xi32> to vector<64x10000xf32>
    %dot_general3A_70 = arith.constant dense<0.000000e+00> : vector<64x128xf32>
    %dot_general3A_71 = tpu.matmul %convert_element_type3A_69, %add3A_62, %dot_general3A_70 {dimension_numbers = #tpu.dot_dimension_numbers<[1], [0], [0], [1], [0, 0, 1, 1], [], []>, precision = #tpu.contract_precision<fp32>, transpose_lhs_hint = false} : vector<64x10000xf32>, vector<10000x128xf32>, vector<64x128xf32> -> vector<64x128xf32>
    %swap3A_72 = arith.constant 0 : index
    %swap3A_73 = arith.constant 0 : index
    %swap3A_74 = vector.load %arg10[%swap3A_72, %swap3A_73] : memref<64x128xf32, #tpu.memory_space<vmem>>, vector<64x128xf32>
    tpu.vector_store %arg10[%swap3A_72, %swap3A_73], %dot_general3A_71 {strides = array<i32>} : memref<64x128xf32, #tpu.memory_space<vmem>>, vector<64x128xf32>,
    return
  }
}

module attributes {stable_mosaic.version = 14 : i64} {
  func.func @_mlp_body(%arg0: memref<10000x128xf32, #tpu.memory_space<vmem>>, %arg1: memref<2x10000x128xf32, #tpu.memory_space<vmem>>, %arg2: memref<1x10000xi32, #tpu.memory_space<vmem>>, %arg3: memref<128x128xf32, #tpu.memory_space<vmem>>, %arg4: memref<1x128xf32, #tpu.memory_space<vmem>>, %arg5: memref<128x128xf32, #tpu.memory_space<vmem>>, %arg6: memref<1x128xf32, #tpu.memory_space<vmem>>, %arg7: memref<1x128xf32, #tpu.memory_space<vmem>>, %arg8: memref<1x128xf32, #tpu.memory_space<vmem>>, %arg9: memref<10000x128xf32, #tpu.memory_space<vmem>>, %arg10: memref<64x128xf32, #tpu.memory_space<vmem>>) attributes {dimension_semantics = [], scalar_prefetch = 0 : i64, scratch_operands = 0 : i64, tpu.core_type = #tpu.core_type<tc>} {
    %get3A = arith.constant 0 : index
    %get3A_0 = arith.constant 0 : index
    %get3A_1 = arith.constant 0 : index
    %get3A_2 = vector.load %arg1[%get3A, %get3A_0, %get3A_1] : memref<2x10000x128xf32, #tpu.memory_space<vmem>>, vector<1x10000x128xf32>
    %get3A_3 = vector.shape_cast %get3A_2 : vector<1x10000x128xf32> to vector<10000x128xf32>
    %get3A_4 = arith.constant 1 : index
    %get3A_5 = arith.constant 0 : index
    %get3A_6 = arith.constant 0 : index
    %get3A_7 = vector.load %arg1[%get3A_4, %get3A_5, %get3A_6] : memref<2x10000x128xf32, #tpu.memory_space<vmem>>, vector<1x10000x128xf32>
    %get3A_8 = vector.shape_cast %get3A_7 : vector<1x10000x128xf32> to vector<10000x128xf32>
    %add3A = arith.addf %get3A_3, %get3A_8 : vector<10000x128xf32>
    %get3A_9 = arith.constant 0 : index
    %get3A_10 = arith.constant 0 : index
    %get3A_11 = vector.load %arg0[%get3A_9, %get3A_10] : memref<10000x128xf32, #tpu.memory_space<vmem>>, vector<10000x128xf32>
    %sub3A = arith.subf %add3A, %get3A_11 : vector<10000x128xf32>
    %get3A_12 = arith.constant 0 : index
    %get3A_13 = arith.constant 0 : index
    %get3A_14 = vector.load %arg3[%get3A_12, %get3A_13] : memref<128x128xf32, #tpu.memory_space<vmem>>, vector<128x128xf32>
    %dot_general3A = arith.constant dense<0.000000e+00> : vector<10000x128xf32>
    %dot_general3A_15 = tpu.matmul %sub3A, %get3A_14, %dot_general3A {dimension_numbers = #tpu.dot_dimension_numbers<[1], [1], [0], [0], [0, 0, 1, 0], [], []>, transpose_lhs_hint = false} : vector<10000x128xf32>, vector<128x128xf32>, vector<10000x128xf32> -> vector<10000x128xf32>
    %get3A_16 = arith.constant 0 : index
    %get3A_17 = arith.constant 0 : index
    %get3A_18 = vector.load %arg4[%get3A_16, %get3A_17] : memref<1x128xf32, #tpu.memory_space<vmem>>, vector<1x128xf32>
    %add3A_19 = vector.broadcast %get3A_18 : vector<1x128xf32> to vector<10000x128xf32>
    %add3A_20 = arith.addf %dot_general3A_15, %add3A_19 : vector<10000x128xf32>
    %max3A = arith.constant 0.000000e+00 : f32
    %max3A_21 = vector.broadcast %max3A : f32 to vector<10000x128xf32>
    %max3A_22 = arith.maximumf %add3A_20, %max3A_21 : vector<10000x128xf32>
    %get3A_23 = arith.constant 0 : index
    %get3A_24 = arith.constant 0 : index
    %get3A_25 = vector.load %arg5[%get3A_23, %get3A_24] : memref<128x128xf32, #tpu.memory_space<vmem>>, vector<128x128xf32>
    %dot_general3A_26 = arith.constant dense<0.000000e+00> : vector<10000x128xf32>
    %dot_general3A_27 = tpu.matmul %max3A_22, %get3A_25, %dot_general3A_26 {dimension_numbers = #tpu.dot_dimension_numbers<[1], [1], [0], [0], [0, 0, 1, 0], [], []>, transpose_lhs_hint = false} : vector<10000x128xf32>, vector<128x128xf32>, vector<10000x128xf32> -> vector<10000x128xf32>
    %get3A_28 = arith.constant 0 : index
    %get3A_29 = arith.constant 0 : index
    %get3A_30 = vector.load %arg6[%get3A_28, %get3A_29] : memref<1x128xf32, #tpu.memory_space<vmem>>, vector<1x128xf32>
    %add3A_31 = vector.broadcast %get3A_30 : vector<1x128xf32> to vector<10000x128xf32>
    %add3A_32 = arith.addf %dot_general3A_27, %add3A_31 : vector<10000x128xf32>
    %max3A_33 = arith.constant 0.000000e+00 : f32
    %max3A_34 = vector.broadcast %max3A_33 : f32 to vector<10000x128xf32>
    %max3A_35 = arith.maximumf %add3A_32, %max3A_34 : vector<10000x128xf32>
    %reduce_sum3A = arith.constant dense<0.000000e+00> : vector<128xf32>
    %reduce_sum3A_36 = vector.multi_reduction <add>, %max3A_35, %reduce_sum3A [0] : vector<10000x128xf32> to vector<128xf32>
    %broadcast_in_dim3A = vector.shape_cast %reduce_sum3A_36 : vector<128xf32> to vector<1x128xf32>
    %div3A = arith.constant 1.000000e+04 : f32
    %div3A_37 = vector.broadcast %div3A : f32 to vector<1x128xf32>
    %div3A_38 = arith.divf %broadcast_in_dim3A, %div3A_37 : vector<1x128xf32>
    %sub3A_39 = vector.broadcast %div3A_38 : vector<1x128xf32> to vector<10000x128xf32>
    %sub3A_40 = arith.subf %max3A_35, %sub3A_39 : vector<10000x128xf32>
    %integer_pow3A = arith.mulf %sub3A_40, %sub3A_40 : vector<10000x128xf32>
    %reduce_sum3A_41 = arith.constant dense<0.000000e+00> : vector<128xf32>
    %reduce_sum3A_42 = vector.multi_reduction <add>, %integer_pow3A, %reduce_sum3A_41 [0] : vector<10000x128xf32> to vector<128xf32>
    %broadcast_in_dim3A_43 = vector.shape_cast %reduce_sum3A_42 : vector<128xf32> to vector<1x128xf32>
    %div3A_44 = arith.constant 1.000000e+04 : f32
    %div3A_45 = vector.broadcast %div3A_44 : f32 to vector<1x128xf32>
    %div3A_46 = arith.divf %broadcast_in_dim3A_43, %div3A_45 : vector<1x128xf32>
    %sub3A_47 = vector.broadcast %div3A_38 : vector<1x128xf32> to vector<10000x128xf32>
    %sub3A_48 = arith.subf %max3A_35, %sub3A_47 : vector<10000x128xf32>
    %add3A_49 = arith.constant 9.99999974E-6 : f32
    %add3A_50 = vector.broadcast %add3A_49 : f32 to vector<1x128xf32>
    %add3A_51 = arith.addf %div3A_46, %add3A_50 : vector<1x128xf32>
    %rsqrt3A = math.rsqrt %add3A_51 : vector<1x128xf32>
    %mul3A = vector.broadcast %rsqrt3A : vector<1x128xf32> to vector<10000x128xf32>
    %mul3A_52 = arith.mulf %sub3A_48, %mul3A : vector<10000x128xf32>
    %get3A_53 = arith.constant 0 : index
    %get3A_54 = arith.constant 0 : index
    %get3A_55 = vector.load %arg7[%get3A_53, %get3A_54] : memref<1x128xf32, #tpu.memory_space<vmem>>, vector<1x128xf32>
    %mul3A_56 = vector.broadcast %get3A_55 : vector<1x128xf32> to vector<10000x128xf32>
    %mul3A_57 = arith.mulf %mul3A_52, %mul3A_56 : vector<10000x128xf32>
    %get3A_58 = arith.constant 0 : index
    %get3A_59 = arith.constant 0 : index
    %get3A_60 = vector.load %arg8[%get3A_58, %get3A_59] : memref<1x128xf32, #tpu.memory_space<vmem>>, vector<1x128xf32>
    %add3A_61 = vector.broadcast %get3A_60 : vector<1x128xf32> to vector<10000x128xf32>
    %add3A_62 = arith.addf %mul3A_57, %add3A_61 : vector<10000x128xf32>
    %swap3A = arith.constant 0 : index
    %swap3A_63 = arith.constant 0 : index
    %swap3A_64 = vector.load %arg9[%swap3A, %swap3A_63] : memref<10000x128xf32, #tpu.memory_space<vmem>>, vector<10000x128xf32>
    tpu.vector_store %arg9[%swap3A, %swap3A_63], %add3A_62 {strides = array<i32>} : memref<10000x128xf32, #tpu.memory_space<vmem>>, vector<10000x128xf32>,
    %iota3A = tpu.iota {dimensions = array<i32: 0>} : vector<64x10000xi32>
    %get3A_65 = arith.constant 0 : index
    %get3A_66 = arith.constant 0 : index
    %get3A_67 = vector.load %arg2[%get3A_65, %get3A_66] : memref<1x10000xi32, #tpu.memory_space<vmem>>, vector<1x10000xi32>
    %eq3A = vector.broadcast %get3A_67 : vector<1x10000xi32> to vector<64x10000xi32>
    %eq3A_68 = arith.cmpi eq, %iota3A, %eq3A : vector<64x10000xi32>
    %convert_element_type3A = arith.extui %eq3A_68 : vector<64x10000xi1> to vector<64x10000xi32>
    %convert_element_type3A_69 = arith.sitofp %convert_element_type3A : vector<64x10000xi32> to vector<64x10000xf32>
    %dot_general3A_70 = arith.constant dense<0.000000e+00> : vector<64x128xf32>
    %dot_general3A_71 = tpu.matmul %convert_element_type3A_69, %add3A_62, %dot_general3A_70 {dimension_numbers = #tpu.dot_dimension_numbers<[1], [0], [0], [1], [0, 0, 1, 1], [], []>, precision = #tpu.contract_precision<fp32>, transpose_lhs_hint = false} : vector<64x10000xf32>, vector<10000x128xf32>, vector<64x128xf32> -> vector<64x128xf32>
    %swap3A_72 = arith.constant 0 : index
    %swap3A_73 = arith.constant 0 : index
    %swap3A_74 = vector.load %arg10[%swap3A_72, %swap3A_73] : memref<64x128xf32, #tpu.memory_space<vmem>>, vector<64x128xf32>
    tpu.vector_store %arg10[%swap3A_72, %swap3A_73], %dot_general3A_71 {strides = array<i32>} : memref<64x128xf32, #tpu.memory_space<vmem>>, vector<64x128xf32>,
    return
  }
}

</mosaic_0001>

<sc_bundles>
// kernel: kernel.11.cloned.1.call-start
scs
__scs_entry_jumppad:
0x0: {  	(pc) =	sbr.rel $0x88, $3  }
0x1: {  	(tag) =	ssettag $0x0;
	lr =	simm.s32 $0x1  }
0x2: {  	[smem:$0x3F98] =	sst lr;
	_ =	strace $0xD0000000  }
0x3: {  	_ = 	snop  }
0x4: {  	_ = 	snop  }
0x5: {  	_ = 	snop  }
0x6: {  	_ = 	snop  }
0x7: {  	_ = 	snop  }
__scs_overlays_trampoline_lowered:
0x8: {  	[smem:$0x3FA7] =	sst s0  }
0x9: {  	[smem:$0x3FA8] =	sst s1  }
0xa: {  	[smem:$0x3FA9] =	sst s2  }
0xb: {  	[smem:$0x3FAA] =	sst s3  }
0xc: {  	[smem:$0x3FAB] =	sst s4  }
0xd: {  	[smem:$0x3FAC] =	sst s5  }
0xe: {  	[smem:$0x3FAD] =	sst s6  }
0xf: {  	[smem:$0x3FAE] =	sst s7  }
0x10: {  	[smem:$0x3FAF] =	sst s8  }
0x11: {  	[smem:$0x3FB0] =	sst s9;
	s0 =	simm.s32 @!p0 $0x0  }
0x12: {  	s1 =	sld [smem:$0x3F96];
	s0 =	simm.s32 @p0 $0x1  }
0x13: {  	[smem:$0x3FB1] =	sst s0;
	s0 =	simm.s32 @!p1 $0x0  }
0x14: {  	s2 =	sld [smem:$0x3F95];
	s0 =	simm.s32 @p1 $0x1  }
0x15: {  	[smem:$0x3FB2] =	sst s0;
	s0 =	simm.s32 @!p2 $0x0  }
0x16: {  	s3 =	sld [smem:$0x3FDB];
	s0 =	simm.s32 @p2 $0x1  }
0x17: {  	s4 =	simm.s32 $0x1BF5;
	[smem:$0x3FB4] =	sst s0  }
0x18: {  	s0 =	sld [smem:$0x3F97];
	_ =	swait.ge [sflag:s4], $0x0  }
0x19: {  	s7 =	sld [smem:$0x3F98]  }
0x1a: {  	s8 =	sadd.s32 $0xFFFFE003, lr  }
0x1b: {  	s9 =	sadd.s32 $0xFFFFFEF7, lr;
	s5 =	simm.s32 $0xFFFFFFFF;
	p2 =	slt.u32 s8, $0xFFFFF086  }
0x1c: {  	p1 =	slt.u32 s9, $0xF7A;
	s5 =	simm.s32 @!p2 $0x0  }
0x1d: {  	s5 =	simm.s32 @p1 $0x1;
	p0 =	seq.s32 s7, s2  }
0x1e: {  	s7 =	smul.u32 @!p0 $0xF7A, s2;
	p2 =	seq.s32 @!p0 s5, $0x0  }
0x1f: {  	s9 =	smul.u32 $0xF7A, s1;
	s8 =	simm.s32 @!p0 $0x1BF5;
	p2 =	por !p2, p0  }
0x20: {  	[sflag:s8] =	ssyncset.s32 @!p0 $0xFFFFF086;
	s6 =	sadd.s32 @!p0 s3, s7;
	s7 =	simm.s32 @!p0 $0x108  }
0x21: {  	s3 =	sadd.s32 s3, s9;
	s6 =	sadd.s32 @!p0 $0x88, s6;
	s7 =	simm.s32 @p2 $0x1082  }
0x22: {  	[simem:s7], [sflag:s8] =	dma.local @!p0 [hbm:s6], $0xF7A  }
0x23: {  	s9 =	sor.u32 $0xD0000000, s2;
	s6 =	simm.s32 $0x108;
	_ =	swait.ge @!p0 [sflag:s8], $0x0  }
0x24: {  	s3 =	sadd.s32 $0x88, s3;
	s6 =	simm.s32 @!p1 $0x1082;
	[sflag:s4] =	ssyncset.s32 $0xFFFFF086  }
0x25: {  	[simem:s6], [sflag:s4] =	dma.local [hbm:s3], $0xF7A  }
0x26: {  	[smem:$0x3F98] =	sst s1;
	(tag) =	ssettag s2;
	_ =	strace s9  }
0x27: {  	s1 =	sld [smem:$0x3FA8]  }
0x28: {  	s2 =	sld [smem:$0x3FA9]  }
0x29: {  	s4 =	sld [smem:$0x3FAB]  }
0x2a: {  	p0 =	seq.s32 s5, $0x0;
	s5 =	sld [smem:$0x3FAC]  }
0x2b: {  	s6 =	sld [smem:$0x3FAD]  }
0x2c: {  	s7 =	sld [smem:$0x3FAE]  }
0x2d: {  	s3 =	simm.s32 $0x108;
	s8 =	sld [smem:$0x3FAF]  }
0x2e: {  	s3 =	simm.s32 @!p0 $0x1082;
	s9 =	sld [smem:$0x3FB0]  }
0x2f: {  	lr =	sadd.s32 s0, s3;
	s0 =	sld [smem:$0x3FA7]  }
0x30: {  	s3 =	sld [smem:$0x3FAA]  }
0x31: {  	[smem:$0x3FB3] =	sst s10  }
0x32: {  	s10 =	sld [smem:$0x3FB1];
	_ =	sdelay $0x3  }
0x33: {  	p0 =	seq.s32 s10, $0x1;
	s10 =	sld [smem:$0x3FB3];
	_ =	sdelay $0x3  }
0x34: {  	[smem:$0x3FB3] =	sst s10  }
0x35: {  	s10 =	sld [smem:$0x3FB2];
	_ =	sdelay $0x3  }
0x36: {  	p1 =	seq.s32 s10, $0x1;
	s10 =	sld [smem:$0x3FB3];
	_ =	sdelay $0x3  }
0x37: {  	[smem:$0x3FB3] =	sst s10  }
0x38: {  	s10 =	sld [smem:$0x3FB4]  }
0x39: {  	_ = 	snop;
	(pc) =	sbr.ind lr, $3  }
0x3a: {  	_ = 	snop  }
0x3b: {  	_ = 	snop  }
0x3c: {  	p2 =	seq.s32 s10, $0x1;
	s10 =	sld [smem:$0x3FB3]  }
0x3d: {  	_ =	shalt  }
0x3e: {  	_ =	shalt  }
0x3f: {  	_ =	shalt  }
0x40: {  	_ =	shalt  }
0x41: {  	_ =	shalt  }
0x42: {  	_ =	shalt  }
0x43: {  	_ =	shalt  }
0x44: {  	_ =	shalt  }
0x45: {  	_ =	shalt  }
0x46: {  	_ =	shalt  }
0x47: {  	_ =	shalt  }
0x48: {  	_ =	shalt  }
0x49: {  	_ =	shalt  }
0x4a: {  	_ =	shalt  }
0x4b: {  	_ =	shalt  }
0x4c: {  	_ =	shalt  }
0x4d: {  	_ =	shalt  }
0x4e: {  	_ =	shalt  }
0x4f: {  	_ =	shalt  }
0x50: {  	_ =	shalt  }
0x51: {  	_ =	shalt  }
0x52: {  	_ =	shalt  }
0x53: {  	_ =	shalt  }
0x54: {  	_ =	shalt  }
0x55: {  	_ =	shalt  }
0x56: {  	_ =	shalt  }
0x57: {  	_ =	shalt  }
0x58: {  	_ =	shalt  }
0x59: {  	_ =	shalt  }
0x5a: {  	_ =	shalt  }
0x5b: {  	_ =	shalt  }
0x5c: {  	_ =	shalt  }
0x5d: {  	_ =	shalt  }
0x5e: {  	_ =	shalt  }
0x5f: {  	_ =	shalt  }
0x60: {  	_ =	shalt  }
0x61: {  	_ =	shalt  }
0x62: {  	_ =	shalt  }
0x63: {  	_ =	shalt  }
0x64: {  	_ =	shalt  }
0x65: {  	_ =	shalt  }
0x66: {  	_ =	shalt  }
0x67: {  	_ =	shalt  }
0x68: {  	_ =	shalt  }
0x69: {  	_ =	shalt  }
0x6a: {  	_ =	shalt  }
0x6b: {  	_ =	shalt  }
0x6c: {  	_ =	shalt  }
0x6d: {  	_ =	shalt  }
0x6e: {  	_ =	shalt  }
0x6f: {  	_ =	shalt  }
0x70: {  	_ =	shalt  }
0x71: {  	_ =	shalt  }
0x72: {  	_ =	shalt  }
0x73: {  	_ =	shalt  }
0x74: {  	_ =	shalt  }
0x75: {  	_ =	shalt  }
0x76: {  	_ =	shalt  }
0x77: {  	_ =	shalt  }
0x78: {  	_ =	shalt  }
0x79: {  	_ =	shalt  }
0x7a: {  	_ =	shalt  }
0x7b: {  	_ =	shalt  }
0x7c: {  	_ =	shalt  }
0x7d: {  	_ =	shalt  }
0x7e: {  	_ =	shalt  }
0x7f: {  	_ =	shalt  }
0x80: {  	_ =	shalt  }
0x81: {  	_ =	shalt  }
0x82: {  	_ =	shalt  }
0x83: {  	_ =	shalt  }
0x84: {  	_ =	shalt  }
0x85: {  	_ =	shalt  }
0x86: {  	_ =	shalt  }
0x87: {  	_ =	shalt  }
.Lfunc_end0:
.L_simem_size_0:
called_computation.1_lowered:
.L_overlay_start_0:
0x88: {  	s2 =	sld [smem:$0x3FD9]  }
0x89: {  	s3 =	sld [smem:$0x3FFE];
	_ =	sdelay $0x1  }
0x8a: {  	s1 =	srdreg.scid  }
0x8b: {  	s0 =	sand.u32 $0x1, s1  }
0x8c: {  	s16 =	sshll.u32 s0, $0xA;
	s2 =	sadd.s32 s3, s2  }
0x8d: {  	s2 =	sadd.s32 s2, s16  }
0x8e: {  	[smem:$0x3FBF] =	sst s2  }
0x8f: {  	_ = 	snop  }
0x90: {  	(tm) =	ssettm $0x1  }
0x91: {  	s17 =	sld [smem:$0x3FFB];
	_ =	sdelay $0x3  }
0x92: {  	_ =	strace s17  }
0x93: {  	s2 =	sld [smem:$0x3FFC];
	_ =	sdelay $0x3  }
0x94: {  	_ =	strace s2  }
0x95: {  	s2 =	sld [smem:$0x3FFD];
	_ =	sdelay $0x3  }
0x96: {  	_ =	strace s2  }
0x97: {  	_ =	strace $0x8FFFFFFF  }
0x98: {  	s18 =	sld [smem:$0x3FDB];
	_ =	sdelay $0x1  }
0x99: {  	s19 =	simm.s32 $_scs_section_size  }
0x9a: {  	s4 =	simm.s32 $_size__tile_overlayer_lowered;
	s5 =	simm.s32 $_tile_overlayer_lowered  }
0x9b: {  	s22 =	simm.s32 $0x1BFF;
	s21 =	sshll.u32 s5, $0x1;
	s2 =	sadd.s32 s19, s18  }
0x9c: {  	s6 =	simm.s32 $0x0;
	s20 =	sshll.u32 s4, $0x1;
	s4 =	sadd.s32 s21, s2  }
0x9d: {  	[timem:s6], [sflag:s22] =	dma.local [hbm:s4], s20  }
0x9e: {  	_ =	swait.ge [sflag:s22], s20  }
0x9f: {  	s3 =	ssub.s32 $0x0, s20;
	[sflag:s22] =	ssyncset.done $0x0  }
0xa0: {  	[sflag:s22] =	ssyncadd.s32 s3;
	_ =	sdelay $0x1  }
0xa1: {  	s23 =	simm.s32 $0x1B8B  }
0xa2: {  	_ =	swait.ge [sflag:s23], $0x1  }
0xa3: {  	[sflag:s23] =	ssyncset.done $0x0  }
0xa4: {  	s25 =	simm.s32 $0x1B8E;
	s24 =	sld [smem:$0x3FFE];
	[sflag:s23] =	ssyncadd.s32 $0xFFFFFFFF  }
0xa5: {  	s26 =	simm.s32 $execute0_lowered;
	[smem:$0x3FD2] =	sst s25  }
0xa6: {  	s4 =	sshll.u32 s26, $0x1;
	_ =	strace $0x80000049;
	[dreg:$0x1] =	wrdreg $0xFFFFFFFF  }
0xa7: {  	s28 =	simm.s32 $_size_execute0_lowered;
	s2 =	sadd.s32 s2, s4;
	[dreg:$0x0] =	wrdreg $0x0  }
0xa8: {  	s4 =	sshll.u32 s28, $0x1;
	[dreg:$0x2] =	wrdreg s2  }
0xa9: {  	[dreg:$0x3] =	wrdreg s4  }
0xaa: {  	[dreg:$0x4] =	wrdreg $0xC0  }
0xab: {  	_ =	task [dreg:s6], $0x5FFFF  }
0xac: {  	[dreg:$0x1] =	wrdreg $0xFFFFFFFF  }
0xad: {  	[dreg:$0x0] =	wrdreg $0x60  }
0xae: {  	[dreg:$0x2] =	wrdreg s24  }
0xaf: {  	[dreg:$0x3] =	wrdreg $0x29000  }
0xb0: {  	[dreg:$0x4] =	wrdreg $0x9  }
0xb1: {  	_ =	task.clear_ibuf [dreg:s6], $0x5FFFF;
	_ =	strace $0x90000049  }
0xb2: {  	s29 =	simm.s32 $0x9;
	_ =	strace $0x8000004B  }
0xb3: {  	_ =	swait.ge [sflag:s29], $0x1  }
0xb4: {  	[sflag:s29] =	ssyncadd.s32 $0xFFFFFFFF  }
0xb5: {  	_ =	strace $0x9000004B  }
0xb6: {  	_ =	sfence  }
0xb7: {  	s30 =	sld [smem:$0x0];
	_ =	sdelay $0x2  }
0xb8: {  	s31 =	sshll.u32 s1, $0xD;
	s1 =	sshrl.u32 s1, $0x2  }
0xb9: {  	s3 =	sand.u32 $0x4000, s31;
	s1 =	sadd.s32 s1, s30  }
0xba: {  	s0 =	sor.u32 s3, s0;
	s1 =	sshll.u32 s1, $0x11  }
0xbb: {  	s0 =	sor.u32 s1, s0  }
0xbc: {  	s0 =	sadd.s32 $0x8F2B, s0  }
0xbd: {  	[sflag:s0] =	ssyncadd.remote.s32 $0x1  }
0xbe: {  	_ =	sfence.sel $0xFFFF  }
0xbf: {  	[dreg:$0x0] =	wrdreg $0xFFFFFFFF;
	(pc) =	sbr.abs _section_cstart, $3  }
0xc0: {  	[dreg:$0x1] =	wrdreg $0xFFFFFFFF  }
0xc1: {  	_ =	task.clear_ibuf [dreg:s6], $0x2FFFF;
	_ =	strace $0x9FFFFFFF  }
0xc2: {  	(tm) =	ssettm $0x7FFFFFFF  }
0xc3: {  	_ =	shalt  }
tec
execute0_lowered:
.L_overlay_start_1:
0x0: {  	(tag) =	ssettag $0x1  }
0x1: {  	s6 =	rddreg [dreg:$0x0]  }
0x2: {  	s1 =	rddreg [dreg:$0x1]  }
0x3: {  	s0 =	rddreg [dreg:$0x2]  }
0x4: {  	s3 =	srdreg.scid;
	s10 =	stileid.u32  }
0x5: {  	s2 =	simm.s32 $0x0;
	s14 =	simm.s32 $0x50;
	s15 =	simm.s32 $0x100  }
0x6: {  	s16 =	simm.s32 $0x1;
	s19 =	simm.s32 $0x0;
	s5 =	smul.u32 $0x4E20, s10  }
0x7: {  	s4 =	sand.u32 $0x1, s3;
	[smem:$0x7FF] =	sst s2;
	s8 =	smul.u32 $0x4E000, s10  }
0x8: {  	s3 =	sadd.s32 $0x17C00, s6;
	s17 =	smul.u32 $0x2700, s10;
	s31 =	sshll.u32 s10, $0x6  }
0x9: {  	s13 =	sadd.s32 $0x138000, s1;
	p0 =	sne.s32 s10, $0x0;
	s7 =	smul.u32 $0x2710, s4  }
0xa: {  	_ =	strace $0x8000004A;
	s28 =	smul.u32 $0x27100, s4;
	s4 =	ssub.s32 $0x2, s4  }
0xb: {  	s29 =	sshrl.u32 s4, $0x1;
	s30 =	sshrl.u32 s8, $0x2;
	s5 =	sadd.s32 s7, s5  }
0xc: {  	s7 =	sadd.s32 s28, s6;
	s11 =	ssub.s32 s4, s29;
	s12 =	sadd.s32 s30, s1  }
0xd: {  	s4 =	sadd.s32 s3, s17;
	s5 =	sshrl.u32 s5, $0x3;
	s18 =	sadd.s32 $0x3EE00, s7  }
0xe: {  	s7 =	smax.u32 s11, $0x1;
	s10 =	sshrl.u32 s12, $0x3;
	s11 =	simm.s32 $0x2  }
0xf: {  	s12 =	sshrl.u32 @!p0 s13, $0x3;
	s13 =	simm.s32 $0x80;
	s9 =	sadd.s32 s5, s6  }
0x10: {  	s5 =	sor.u32 $0x1C02, s31;
	s6 =	sadd.s32 $0x3EC00, s6;
	s17 =	sadd.s32 s17, s18  }
0x11: {  	s18 =	sadd.s32 @!p0 $0x27000, s18;
	s8 =	sadd.s32 $0x4000, s9;
	s9 =	sadd.s32 $0xDE00, s9  }
.LBB2_1:
0x12: {  	[spmem:s10], [sflag:s5] =	dma.local [hbm:s4], $0x2700  }
0x13: {  	_ =	swait.ge [sflag:s11], $0x2700  }
0x14: {  	[sflag:s11] =	ssyncset.done $0x0  }
0x15: {  	s20 =	simm.s32 @!p0 $0x2;
	[sflag:s11] =	ssyncadd.s32 $0xFFFFD900  }
0x16: {  	[spmem:s12], [sflag:s5] =	dma.local @!p0 [hbm:s6], $0x100  }
0x17: {  	_ =	swait.ge @!p0 [sflag:s20], $0x100  }
0x18: {  	[sflag:s20] =	ssyncset.done @!p0 $0x0  }
0x19: {  	[sflag:s20] =	ssyncadd.s32 @!p0 $0xFFFFFF00  }
0x1a: {  	s30 =	sadd.s32 $0x0, s9;
	[bflag:$0x0] =	sbarrier.arrive $0xFFFF  }
0x1b: {  	[tilespmem:s2], [sflag:$0x2] =	stream.linear.gather [hbm4b:s30+s2], $0x50, $0x38;
	[tilespmem:$0x16180] =	vst v63  }
0x1c: {  	_ =	swait.ge [sflag:s11], $0x50  }
0x1d: {  	[sflag:s11] =	ssyncset.done $0x0  }
0x1e: {  	s31 =	sadd.s32 $0x0, s8;
	[sflag:s11] =	ssyncadd.s32 $0xFFFFFFB0  }
0x1f: {  	[tilespmem:s13], [sflag:$0x2] =	stream.linear.gather [hbm4b:s31+s2], $0x50, $0x38;
	[tilespmem:$0x16180] =	vst v63  }
0x20: {  	_ =	swait.ge [sflag:s11], $0x50  }
0x21: {  	[sflag:s11] =	ssyncset.done $0x0  }
0x22: {  	[sflag:s11] =	ssyncadd.s32 $0xFFFFFFB0  }
0x23: {  	[tilespmem:s15], [sflag:$0x1] =	stream.indirect.gather [hbm4b:s3+s14], $0x80, s2, s14, $0xb8;
	[tilespmem:$0x16180] =	vst v63  }
0x24: {  	_ =	swait.ge [sflag:s16], $0x2800  }
0x25: {  	[sflag:s16] =	ssyncset.done $0x0  }
0x26: {  	[sflag:s16] =	ssyncadd.s32 $0xFFFFD800  }
0x27: {  	[spmem:s1] =	stream.indirect.scatter.add.f32 [tilespmem:s15], [sflag:$0x2], $0x80, s13, s14, $0xb8;
	[tilespmem:$0x16180] =	vst v63  }
0x28: {  	_ =	swait.ge [sflag:s11], $0x2800  }
0x29: {  	s21 =	simm.s32 $0x14;
	s20 =	simm.s32 $0xA;
	[sflag:s11] =	ssyncset.done $0x0  }
.LBB2_2:
0x2a: {  	s22 =	sadd.s32 s20, s9  }
0x2b: {  	[sflag:s11] =	ssyncadd.s32 $0xFFFFD800;
	s23 =	smov.u32 s21;
	s24 =	sadd.s32 $0xA, s21  }
0x2c: {  	[tilespmem:s2], [sflag:$0x2] =	stream.linear.gather [hbm4b:s22+s2], $0x50, $0x38;
	[tilespmem:$0x16180] =	vst v63  }
0x2d: {  	p1 =	sne.s32 s21, $0x4D8;
	_ =	swait.ge [sflag:s11], $0x50  }
0x2e: {  	[sflag:s11] =	ssyncset.done $0x0  }
0x2f: {  	s21 =	sadd.s32 s20, s8;
	s20 =	smov.u32 s23;
	[sflag:s11] =	ssyncadd.s32 $0xFFFFFFB0  }
0x30: {  	[tilespmem:s13], [sflag:$0x2] =	stream.linear.gather [hbm4b:s21+s2], $0x50, $0x38;
	[tilespmem:$0x16180] =	vst v63  }
0x31: {  	_ =	swait.ge [sflag:s11], $0x50  }
0x32: {  	[sflag:s11] =	ssyncset.done $0x0  }
0x33: {  	[sflag:s11] =	ssyncadd.s32 $0xFFFFFFB0  }
0x34: {  	[tilespmem:s15], [sflag:$0x1] =	stream.indirect.gather [hbm4b:s3+s14], $0x80, s2, s14, $0xb8;
	[tilespmem:$0x16180] =	vst v63  }
0x35: {  	_ =	swait.ge [sflag:s16], $0x2800  }
.Ltmp0:
0x36: {  	[sflag:s16] =	ssyncset.done $0x0;
	(pc) =	sbr.rel @p1 .LBB2_2-.Ltmp0, $4  }
0x37: {  	[sflag:s16] =	ssyncadd.s32 $0xFFFFD800  }
0x38: {  	[spmem:s1] =	stream.indirect.scatter.add.f32 [tilespmem:s15], [sflag:$0x2], $0x80, s13, s14, $0xb8;
	[tilespmem:$0x16180] =	vst v63  }
0x39: {  	_ =	swait.ge [sflag:s11], $0x2800  }
0x3a: {  	s21 =	smov.u32 s24;
	[sflag:s11] =	ssyncset.done $0x0  }
0x3b: {  	s21 =	sadd.s32 s20, s9;
	[sflag:s11] =	ssyncadd.s32 $0xFFFFD800  }
0x3c: {  	[tilespmem:s2], [sflag:$0x2] =	stream.linear.gather [hbm4b:s21+s2], $0x50, $0x38;
	[tilespmem:$0x16180] =	vst v63  }
0x3d: {  	_ =	swait.ge [sflag:s11], $0x50  }
0x3e: {  	[sflag:s11] =	ssyncset.done $0x0  }
0x3f: {  	s31 =	sadd.s32 s20, s8;
	[sflag:s11] =	ssyncadd.s32 $0xFFFFFFB0  }
0x40: {  	[tilespmem:s13], [sflag:$0x2] =	stream.linear.gather [hbm4b:s31+s2], $0x50, $0x38;
	[tilespmem:$0x16180] =	vst v63  }
0x41: {  	_ =	swait.ge [sflag:s11], $0x50  }
0x42: {  	[sflag:s11] =	ssyncset.done $0x0  }
0x43: {  	[sflag:s11] =	ssyncadd.s32 $0xFFFFFFB0  }
0x44: {  	[tilespmem:s15], [sflag:$0x1] =	stream.indirect.gather [hbm4b:s3+s14], $0x80, s2, s14, $0xb8;
	[tilespmem:$0x16180] =	vst v63  }
0x45: {  	_ =	swait.ge [sflag:s16], $0x2800  }
0x46: {  	[sflag:s16] =	ssyncset.done $0x0  }
0x47: {  	[sflag:s16] =	ssyncadd.s32 $0xFFFFD800  }
0x48: {  	[spmem:s1] =	stream.indirect.scatter.add.f32 [tilespmem:s15], [sflag:$0x2], $0x80, s13, s14, $0xb8;
	[tilespmem:$0x16180] =	vst v63  }
0x49: {  	_ =	swait.ge [sflag:s11], $0x2800  }
0x4a: {  	[sflag:s11] =	ssyncset.done $0x0  }
0x4b: {  	[sflag:s11] =	ssyncadd.s32 $0xFFFFD800  }
0x4c: {  	[bflag:$0x0] =	sbarrier.arrive $0xFFFF  }
0x4d: {  	[hbm:s17], [sflag:s5] =	dma.local [spmem:s10], $0x2700  }
0x4e: {  	s19 =	sadd.s32 $0x1, s19;
	_ =	swait.ge [sflag:s11], $0x2700  }
0x4f: {  	p1 =	sne.s32 s19, s7;
	[sflag:s11] =	ssyncset.done $0x0  }
.Ltmp1:
0x50: {  	s20 =	simm.s32 @!p0 $0x2;
	[sflag:s11] =	ssyncadd.s32 $0xFFFFD900;
	(pc) =	sbr.rel @p1 .LBB2_1-.Ltmp1, $4  }
0x51: {  	[hbm:s18], [sflag:s5] =	dma.local @!p0 [spmem:s12], $0x100  }
0x52: {  	_ =	swait.ge @!p0 [sflag:s20], $0x100  }
0x53: {  	[sflag:s20] =	ssyncset.done @!p0 $0x0  }
0x54: {  	[sflag:s20] =	ssyncadd.s32 @!p0 $0xFFFFFF00  }
0x55: {  	_ =	sfence.sel $0x180000  }
0x56: {  	[bflag:$0x0] =	sbarrier.arrive $0xFFFF  }
0x57: {  	_ =	strace $0x9000004A  }
0x58: {  	s0 =	sadd.s32 @!p0 $0x100000, s0;
	[bflag:$0x2] =	sbarrier.arrive $0xFFFF  }
0x59: {  	[sflag:s0] =	ssyncadd.tile.s32 @!p0 $0x1;
	_ =	shalt  }
.Lfunc_end2:
_tile_overlayer_lowered:
.L_overlay_start_2:
0x5a: {  	(tag) =	ssettag $0x2  }
0x5b: {  	s0 =	rddreg [dreg:$0x0];
	s2 =	stileid.u32  }
0x5c: {  	s1 =	rddreg [dreg:$0x1];
	p0 =	sne.s32 s2, $0x0  }
0x5d: {  	s3 =	rddreg [dreg:$0x2];
	[bflag:$0x3] =	sbarrier.arrive $0xFFFF;
	s2 =	simm.s32 @!p0 $0x1C02  }
0x5e: {  	[timem:s3], [sflag:s2] =	dma.local @!p0 [hbm:s0], s1  }
0x5f: {  	s0 =	simm.s32 @!p0 $0x2  }
0x60: {  	_ =	swait.ge @!p0 [sflag:s0], s1  }
0x61: {  	s1 =	ssub.s32 @!p0 $0x0, s1;
	[sflag:s0] =	ssyncset.done @!p0 $0x0  }
0x62: {  	[sflag:s0] =	ssyncadd.s32 @!p0 s1  }
0x63: {  	[bflag:$0x3] =	sbarrier.arrive $0xFFFF  }
0x64: {  	_ =	shalt  }

// kernel: kernel.14.cloned.1.call-start
scs
__scs_entry_jumppad:
0x0: {  	(pc) =	sbr.rel $0x88, $3  }
0x1: {  	(tag) =	ssettag $0x0;
	lr =	simm.s32 $0x1  }
0x2: {  	[smem:$0x3F98] =	sst lr;
	_ =	strace $0xD0000000  }
0x3: {  	_ = 	snop  }
0x4: {  	_ = 	snop  }
0x5: {  	_ = 	snop  }
0x6: {  	_ = 	snop  }
0x7: {  	_ = 	snop  }
__scs_overlays_trampoline_lowered:
0x8: {  	[smem:$0x3FA7] =	sst s0  }
0x9: {  	[smem:$0x3FA8] =	sst s1  }
0xa: {  	[smem:$0x3FA9] =	sst s2  }
0xb: {  	[smem:$0x3FAA] =	sst s3  }
0xc: {  	[smem:$0x3FAB] =	sst s4  }
0xd: {  	[smem:$0x3FAC] =	sst s5  }
0xe: {  	[smem:$0x3FAD] =	sst s6  }
0xf: {  	[smem:$0x3FAE] =	sst s7  }
0x10: {  	[smem:$0x3FAF] =	sst s8  }
0x11: {  	[smem:$0x3FB0] =	sst s9;
	s0 =	simm.s32 @!p0 $0x0  }
0x12: {  	s1 =	sld [smem:$0x3F96];
	s0 =	simm.s32 @p0 $0x1  }
0x13: {  	[smem:$0x3FB1] =	sst s0;
	s0 =	simm.s32 @!p1 $0x0  }
0x14: {  	s2 =	sld [smem:$0x3F95];
	s0 =	simm.s32 @p1 $0x1  }
0x15: {  	[smem:$0x3FB2] =	sst s0;
	s0 =	simm.s32 @!p2 $0x0  }
0x16: {  	s3 =	sld [smem:$0x3FDB];
	s0 =	simm.s32 @p2 $0x1  }
0x17: {  	s4 =	simm.s32 $0x1BF5;
	[smem:$0x3FB4] =	sst s0  }
0x18: {  	s0 =	sld [smem:$0x3F97];
	_ =	swait.ge [sflag:s4], $0x0  }
0x19: {  	s7 =	sld [smem:$0x3F98]  }
0x1a: {  	s8 =	sadd.s32 $0xFFFFE003, lr  }
0x1b: {  	s9 =	sadd.s32 $0xFFFFFEF7, lr;
	s5 =	simm.s32 $0xFFFFFFFF;
	p2 =	slt.u32 s8, $0xFFFFF086  }
0x1c: {  	p1 =	slt.u32 s9, $0xF7A;
	s5 =	simm.s32 @!p2 $0x0  }
0x1d: {  	s5 =	simm.s32 @p1 $0x1;
	p0 =	seq.s32 s7, s2  }
0x1e: {  	s7 =	smul.u32 @!p0 $0xF7A, s2;
	p2 =	seq.s32 @!p0 s5, $0x0  }
0x1f: {  	s9 =	smul.u32 $0xF7A, s1;
	s8 =	simm.s32 @!p0 $0x1BF5;
	p2 =	por !p2, p0  }
0x20: {  	[sflag:s8] =	ssyncset.s32 @!p0 $0xFFFFF086;
	s6 =	sadd.s32 @!p0 s3, s7;
	s7 =	simm.s32 @!p0 $0x108  }
0x21: {  	s3 =	sadd.s32 s3, s9;
	s6 =	sadd.s32 @!p0 $0x88, s6;
	s7 =	simm.s32 @p2 $0x1082  }
0x22: {  	[simem:s7], [sflag:s8] =	dma.local @!p0 [hbm:s6], $0xF7A  }
0x23: {  	s9 =	sor.u32 $0xD0000000, s2;
	s6 =	simm.s32 $0x108;
	_ =	swait.ge @!p0 [sflag:s8], $0x0  }
0x24: {  	s3 =	sadd.s32 $0x88, s3;
	s6 =	simm.s32 @!p1 $0x1082;
	[sflag:s4] =	ssyncset.s32 $0xFFFFF086  }
0x25: {  	[simem:s6], [sflag:s4] =	dma.local [hbm:s3], $0xF7A  }
0x26: {  	[smem:$0x3F98] =	sst s1;
	(tag) =	ssettag s2;
	_ =	strace s9  }
0x27: {  	s1 =	sld [smem:$0x3FA8]  }
0x28: {  	s2 =	sld [smem:$0x3FA9]  }
0x29: {  	s4 =	sld [smem:$0x3FAB]  }
0x2a: {  	p0 =	seq.s32 s5, $0x0;
	s5 =	sld [smem:$0x3FAC]  }
0x2b: {  	s6 =	sld [smem:$0x3FAD]  }
0x2c: {  	s7 =	sld [smem:$0x3FAE]  }
0x2d: {  	s3 =	simm.s32 $0x108;
	s8 =	sld [smem:$0x3FAF]  }
0x2e: {  	s3 =	simm.s32 @!p0 $0x1082;
	s9 =	sld [smem:$0x3FB0]  }
0x2f: {  	lr =	sadd.s32 s0, s3;
	s0 =	sld [smem:$0x3FA7]  }
0x30: {  	s3 =	sld [smem:$0x3FAA]  }
0x31: {  	[smem:$0x3FB3] =	sst s10  }
0x32: {  	s10 =	sld [smem:$0x3FB1];
	_ =	sdelay $0x3  }
0x33: {  	p0 =	seq.s32 s10, $0x1;
	s10 =	sld [smem:$0x3FB3];
	_ =	sdelay $0x3  }
0x34: {  	[smem:$0x3FB3] =	sst s10  }
0x35: {  	s10 =	sld [smem:$0x3FB2];
	_ =	sdelay $0x3  }
0x36: {  	p1 =	seq.s32 s10, $0x1;
	s10 =	sld [smem:$0x3FB3];
	_ =	sdelay $0x3  }
0x37: {  	[smem:$0x3FB3] =	sst s10  }
0x38: {  	s10 =	sld [smem:$0x3FB4]  }
0x39: {  	_ = 	snop;
	(pc) =	sbr.ind lr, $3  }
0x3a: {  	_ = 	snop  }
0x3b: {  	_ = 	snop  }
0x3c: {  	p2 =	seq.s32 s10, $0x1;
	s10 =	sld [smem:$0x3FB3]  }
0x3d: {  	_ =	shalt  }
0x3e: {  	_ =	shalt  }
0x3f: {  	_ =	shalt  }
0x40: {  	_ =	shalt  }
0x41: {  	_ =	shalt  }
0x42: {  	_ =	shalt  }
0x43: {  	_ =	shalt  }
0x44: {  	_ =	shalt  }
0x45: {  	_ =	shalt  }
0x46: {  	_ =	shalt  }
0x47: {  	_ =	shalt  }
0x48: {  	_ =	shalt  }
0x49: {  	_ =	shalt  }
0x4a: {  	_ =	shalt  }
0x4b: {  	_ =	shalt  }
0x4c: {  	_ =	shalt  }
0x4d: {  	_ =	shalt  }
0x4e: {  	_ =	shalt  }
0x4f: {  	_ =	shalt  }
0x50: {  	_ =	shalt  }
0x51: {  	_ =	shalt  }
0x52: {  	_ =	shalt  }
0x53: {  	_ =	shalt  }
0x54: {  	_ =	shalt  }
0x55: {  	_ =	shalt  }
0x56: {  	_ =	shalt  }
0x57: {  	_ =	shalt  }
0x58: {  	_ =	shalt  }
0x59: {  	_ =	shalt  }
0x5a: {  	_ =	shalt  }
0x5b: {  	_ =	shalt  }
0x5c: {  	_ =	shalt  }
0x5d: {  	_ =	shalt  }
0x5e: {  	_ =	shalt  }
0x5f: {  	_ =	shalt  }
0x60: {  	_ =	shalt  }
0x61: {  	_ =	shalt  }
0x62: {  	_ =	shalt  }
0x63: {  	_ =	shalt  }
0x64: {  	_ =	shalt  }
0x65: {  	_ =	shalt  }
0x66: {  	_ =	shalt  }
0x67: {  	_ =	shalt  }
0x68: {  	_ =	shalt  }
0x69: {  	_ =	shalt  }
0x6a: {  	_ =	shalt  }
0x6b: {  	_ =	shalt  }
0x6c: {  	_ =	shalt  }
0x6d: {  	_ =	shalt  }
0x6e: {  	_ =	shalt  }
0x6f: {  	_ =	shalt  }
0x70: {  	_ =	shalt  }
0x71: {  	_ =	shalt  }
0x72: {  	_ =	shalt  }
0x73: {  	_ =	shalt  }
0x74: {  	_ =	shalt  }
0x75: {  	_ =	shalt  }
0x76: {  	_ =	shalt  }
0x77: {  	_ =	shalt  }
0x78: {  	_ =	shalt  }
0x79: {  	_ =	shalt  }
0x7a: {  	_ =	shalt  }
0x7b: {  	_ =	shalt  }
0x7c: {  	_ =	shalt  }
0x7d: {  	_ =	shalt  }
0x7e: {  	_ =	shalt  }
0x7f: {  	_ =	shalt  }
0x80: {  	_ =	shalt  }
0x81: {  	_ =	shalt  }
0x82: {  	_ =	shalt  }
0x83: {  	_ =	shalt  }
0x84: {  	_ =	shalt  }
0x85: {  	_ =	shalt  }
0x86: {  	_ =	shalt  }
0x87: {  	_ =	shalt  }
.Lfunc_end0:
.L_simem_size_0:
called_computation.2_lowered:
.L_overlay_start_0:
0x88: {  	s2 =	sld [smem:$0x3FD9]  }
0x89: {  	s3 =	sld [smem:$0x3FFE];
	_ =	sdelay $0x1  }
0x8a: {  	s1 =	srdreg.scid  }
0x8b: {  	s0 =	sand.u32 $0x1, s1  }
0x8c: {  	s16 =	sshll.u32 s0, $0xA;
	s2 =	sadd.s32 s3, s2  }
0x8d: {  	s2 =	sadd.s32 s2, s16  }
0x8e: {  	[smem:$0x3FBF] =	sst s2  }
0x8f: {  	_ = 	snop  }
0x90: {  	(tm) =	ssettm $0x1  }
0x91: {  	s17 =	sld [smem:$0x3FFB];
	_ =	sdelay $0x3  }
0x92: {  	_ =	strace s17  }
0x93: {  	s2 =	sld [smem:$0x3FFC];
	_ =	sdelay $0x3  }
0x94: {  	_ =	strace s2  }
0x95: {  	s2 =	sld [smem:$0x3FFD];
	_ =	sdelay $0x3  }
0x96: {  	_ =	strace s2  }
0x97: {  	_ =	strace $0x8FFFFFFF  }
0x98: {  	s18 =	sld [smem:$0x3FDB];
	_ =	sdelay $0x1  }
0x99: {  	s19 =	simm.s32 $_scs_section_size  }
0x9a: {  	s4 =	simm.s32 $_size__tile_overlayer_lowered;
	s5 =	simm.s32 $_tile_overlayer_lowered  }
0x9b: {  	s22 =	simm.s32 $0x1BFF;
	s21 =	sshll.u32 s5, $0x1;
	s2 =	sadd.s32 s19, s18  }
0x9c: {  	s6 =	simm.s32 $0x0;
	s20 =	sshll.u32 s4, $0x1;
	s4 =	sadd.s32 s21, s2  }
0x9d: {  	[timem:s6], [sflag:s22] =	dma.local [hbm:s4], s20  }
0x9e: {  	_ =	swait.ge [sflag:s22], s20  }
0x9f: {  	s3 =	ssub.s32 $0x0, s20;
	[sflag:s22] =	ssyncset.done $0x0  }
0xa0: {  	[sflag:s22] =	ssyncadd.s32 s3;
	_ =	sdelay $0x1  }
0xa1: {  	s23 =	simm.s32 $0x1B8B  }
0xa2: {  	_ =	swait.ge [sflag:s23], $0x1  }
0xa3: {  	[sflag:s23] =	ssyncset.done $0x0  }
0xa4: {  	s25 =	simm.s32 $0x1B8E;
	s24 =	sld [smem:$0x3FFE];
	[sflag:s23] =	ssyncadd.s32 $0xFFFFFFFF  }
0xa5: {  	s26 =	simm.s32 $execute0_lowered;
	[smem:$0x3FD2] =	sst s25  }
0xa6: {  	s4 =	sshll.u32 s26, $0x1;
	_ =	strace $0x8000004C;
	[dreg:$0x1] =	wrdreg $0xFFFFFFFF  }
0xa7: {  	s28 =	simm.s32 $_size_execute0_lowered;
	s2 =	sadd.s32 s2, s4;
	[dreg:$0x0] =	wrdreg $0x0  }
0xa8: {  	s4 =	sshll.u32 s28, $0x1;
	[dreg:$0x2] =	wrdreg s2  }
0xa9: {  	[dreg:$0x3] =	wrdreg s4  }
0xaa: {  	[dreg:$0x4] =	wrdreg $0xC0  }
0xab: {  	_ =	task [dreg:s6], $0x5FFFF  }
0xac: {  	[dreg:$0x1] =	wrdreg $0xFFFFFFFF  }
0xad: {  	[dreg:$0x0] =	wrdreg $0x60  }
0xae: {  	[dreg:$0x2] =	wrdreg s24  }
0xaf: {  	[dreg:$0x3] =	wrdreg $0x29000  }
0xb0: {  	[dreg:$0x4] =	wrdreg $0x9  }
0xb1: {  	_ =	task.clear_ibuf [dreg:s6], $0x5FFFF;
	_ =	strace $0x9000004C  }
0xb2: {  	s29 =	simm.s32 $0x9;
	_ =	strace $0x8000004E  }
0xb3: {  	_ =	swait.ge [sflag:s29], $0x1  }
0xb4: {  	[sflag:s29] =	ssyncadd.s32 $0xFFFFFFFF  }
0xb5: {  	_ =	strace $0x9000004E  }
0xb6: {  	_ =	sfence  }
0xb7: {  	s30 =	sld [smem:$0x0];
	_ =	sdelay $0x2  }
0xb8: {  	s31 =	sshll.u32 s1, $0xD;
	s1 =	sshrl.u32 s1, $0x2  }
0xb9: {  	s3 =	sand.u32 $0x4000, s31;
	s1 =	sadd.s32 s1, s30  }
0xba: {  	s0 =	sor.u32 s3, s0;
	s1 =	sshll.u32 s1, $0x11  }
0xbb: {  	s0 =	sor.u32 s1, s0  }
0xbc: {  	s0 =	sadd.s32 $0x8F2B, s0  }
0xbd: {  	[sflag:s0] =	ssyncadd.remote.s32 $0x1  }
0xbe: {  	_ =	sfence.sel $0xFFFF  }
0xbf: {  	[dreg:$0x0] =	wrdreg $0xFFFFFFFF;
	(pc) =	sbr.abs _section_cstart, $3  }
0xc0: {  	[dreg:$0x1] =	wrdreg $0xFFFFFFFF  }
0xc1: {  	_ =	task.clear_ibuf [dreg:s6], $0x2FFFF;
	_ =	strace $0x9FFFFFFF  }
0xc2: {  	(tm) =	ssettm $0x7FFFFFFF  }
0xc3: {  	_ =	shalt  }
tec
execute0_lowered:
.L_overlay_start_1:
0x0: {  	(tag) =	ssettag $0x1  }
0x1: {  	s6 =	rddreg [dreg:$0x0]  }
0x2: {  	s1 =	rddreg [dreg:$0x1]  }
0x3: {  	s0 =	rddreg [dreg:$0x2]  }
0x4: {  	s3 =	srdreg.scid;
	s10 =	stileid.u32  }
0x5: {  	s2 =	simm.s32 $0x0;
	s14 =	simm.s32 $0x50;
	s15 =	simm.s32 $0x100  }
0x6: {  	s16 =	simm.s32 $0x1;
	s19 =	simm.s32 $0x0;
	s5 =	smul.u32 $0x4E20, s10  }
0x7: {  	s4 =	sand.u32 $0x1, s3;
	[smem:$0x7FF] =	sst s2;
	s8 =	smul.u32 $0x4E000, s10  }
0x8: {  	s3 =	sadd.s32 $0x17C00, s6;
	s17 =	smul.u32 $0x2700, s10;
	s31 =	sshll.u32 s10, $0x6  }
0x9: {  	s13 =	sadd.s32 $0x138000, s1;
	p0 =	sne.s32 s10, $0x0;
	s7 =	smul.u32 $0x2710, s4  }
0xa: {  	_ =	strace $0x8000004D;
	s28 =	smul.u32 $0x27100, s4;
	s4 =	ssub.s32 $0x2, s4  }
0xb: {  	s29 =	sshrl.u32 s4, $0x1;
	s30 =	sshrl.u32 s8, $0x2;
	s5 =	sadd.s32 s7, s5  }
0xc: {  	s7 =	sadd.s32 s28, s6;
	s11 =	ssub.s32 s4, s29;
	s12 =	sadd.s32 s30, s1  }
0xd: {  	s4 =	sadd.s32 s3, s17;
	s5 =	sshrl.u32 s5, $0x3;
	s18 =	sadd.s32 $0x3EE00, s7  }
0xe: {  	s7 =	smax.u32 s11, $0x1;
	s10 =	sshrl.u32 s12, $0x3;
	s11 =	simm.s32 $0x2  }
0xf: {  	s12 =	sshrl.u32 @!p0 s13, $0x3;
	s13 =	simm.s32 $0x80;
	s9 =	sadd.s32 s5, s6  }
0x10: {  	s5 =	sor.u32 $0x1C02, s31;
	s6 =	sadd.s32 $0x3EC00, s6;
	s17 =	sadd.s32 s17, s18  }
0x11: {  	s18 =	sadd.s32 @!p0 $0x27000, s18;
	s8 =	sadd.s32 $0x4000, s9;
	s9 =	sadd.s32 $0xDE00, s9  }
.LBB2_1:
0x12: {  	[spmem:s10], [sflag:s5] =	dma.local [hbm:s4], $0x2700  }
0x13: {  	_ =	swait.ge [sflag:s11], $0x2700  }
0x14: {  	[sflag:s11] =	ssyncset.done $0x0  }
0x15: {  	s20 =	simm.s32 @!p0 $0x2;
	[sflag:s11] =	ssyncadd.s32 $0xFFFFD900  }
0x16: {  	[spmem:s12], [sflag:s5] =	dma.local @!p0 [hbm:s6], $0x100  }
0x17: {  	_ =	swait.ge @!p0 [sflag:s20], $0x100  }
0x18: {  	[sflag:s20] =	ssyncset.done @!p0 $0x0  }
0x19: {  	[sflag:s20] =	ssyncadd.s32 @!p0 $0xFFFFFF00  }
0x1a: {  	s30 =	sadd.s32 $0x0, s9;
	[bflag:$0x0] =	sbarrier.arrive $0xFFFF  }
0x1b: {  	[tilespmem:s2], [sflag:$0x2] =	stream.linear.gather [hbm4b:s30+s2], $0x50, $0x38;
	[tilespmem:$0x16180] =	vst v63  }
0x1c: {  	_ =	swait.ge [sflag:s11], $0x50  }
0x1d: {  	[sflag:s11] =	ssyncset.done $0x0  }
0x1e: {  	s31 =	sadd.s32 $0x0, s8;
	[sflag:s11] =	ssyncadd.s32 $0xFFFFFFB0  }
0x1f: {  	[tilespmem:s13], [sflag:$0x2] =	stream.linear.gather [hbm4b:s31+s2], $0x50, $0x38;
	[tilespmem:$0x16180] =	vst v63  }
0x20: {  	_ =	swait.ge [sflag:s11], $0x50  }
0x21: {  	[sflag:s11] =	ssyncset.done $0x0  }
0x22: {  	[sflag:s11] =	ssyncadd.s32 $0xFFFFFFB0  }
0x23: {  	[tilespmem:s15], [sflag:$0x1] =	stream.indirect.gather [hbm4b:s3+s14], $0x80, s2, s14, $0xb8;
	[tilespmem:$0x16180] =	vst v63  }
0x24: {  	_ =	swait.ge [sflag:s16], $0x2800  }
0x25: {  	[sflag:s16] =	ssyncset.done $0x0  }
0x26: {  	[sflag:s16] =	ssyncadd.s32 $0xFFFFD800  }
0x27: {  	[spmem:s1] =	stream.indirect.scatter.add.f32 [tilespmem:s15], [sflag:$0x2], $0x80, s13, s14, $0xb8;
	[tilespmem:$0x16180] =	vst v63  }
0x28: {  	_ =	swait.ge [sflag:s11], $0x2800  }
0x29: {  	s21 =	simm.s32 $0x14;
	s20 =	simm.s32 $0xA;
	[sflag:s11] =	ssyncset.done $0x0  }
.LBB2_2:
0x2a: {  	s22 =	sadd.s32 s20, s9  }
0x2b: {  	[sflag:s11] =	ssyncadd.s32 $0xFFFFD800;
	s23 =	smov.u32 s21;
	s24 =	sadd.s32 $0xA, s21  }
0x2c: {  	[tilespmem:s2], [sflag:$0x2] =	stream.linear.gather [hbm4b:s22+s2], $0x50, $0x38;
	[tilespmem:$0x16180] =	vst v63  }
0x2d: {  	p1 =	sne.s32 s21, $0x4D8;
	_ =	swait.ge [sflag:s11], $0x50  }
0x2e: {  	[sflag:s11] =	ssyncset.done $0x0  }
0x2f: {  	s21 =	sadd.s32 s20, s8;
	s20 =	smov.u32 s23;
	[sflag:s11] =	ssyncadd.s32 $0xFFFFFFB0  }
0x30: {  	[tilespmem:s13], [sflag:$0x2] =	stream.linear.gather [hbm4b:s21+s2], $0x50, $0x38;
	[tilespmem:$0x16180] =	vst v63  }
0x31: {  	_ =	swait.ge [sflag:s11], $0x50  }
0x32: {  	[sflag:s11] =	ssyncset.done $0x0  }
0x33: {  	[sflag:s11] =	ssyncadd.s32 $0xFFFFFFB0  }
0x34: {  	[tilespmem:s15], [sflag:$0x1] =	stream.indirect.gather [hbm4b:s3+s14], $0x80, s2, s14, $0xb8;
	[tilespmem:$0x16180] =	vst v63  }
0x35: {  	_ =	swait.ge [sflag:s16], $0x2800  }
.Ltmp0:
0x36: {  	[sflag:s16] =	ssyncset.done $0x0;
	(pc) =	sbr.rel @p1 .LBB2_2-.Ltmp0, $4  }
0x37: {  	[sflag:s16] =	ssyncadd.s32 $0xFFFFD800  }
0x38: {  	[spmem:s1] =	stream.indirect.scatter.add.f32 [tilespmem:s15], [sflag:$0x2], $0x80, s13, s14, $0xb8;
	[tilespmem:$0x16180] =	vst v63  }
0x39: {  	_ =	swait.ge [sflag:s11], $0x2800  }
0x3a: {  	s21 =	smov.u32 s24;
	[sflag:s11] =	ssyncset.done $0x0  }
0x3b: {  	s21 =	sadd.s32 s20, s9;
	[sflag:s11] =	ssyncadd.s32 $0xFFFFD800  }
0x3c: {  	[tilespmem:s2], [sflag:$0x2] =	stream.linear.gather [hbm4b:s21+s2], $0x50, $0x38;
	[tilespmem:$0x16180] =	vst v63  }
0x3d: {  	_ =	swait.ge [sflag:s11], $0x50  }
0x3e: {  	[sflag:s11] =	ssyncset.done $0x0  }
0x3f: {  	s31 =	sadd.s32 s20, s8;
	[sflag:s11] =	ssyncadd.s32 $0xFFFFFFB0  }
0x40: {  	[tilespmem:s13], [sflag:$0x2] =	stream.linear.gather [hbm4b:s31+s2], $0x50, $0x38;
	[tilespmem:$0x16180] =	vst v63  }
0x41: {  	_ =	swait.ge [sflag:s11], $0x50  }
0x42: {  	[sflag:s11] =	ssyncset.done $0x0  }
0x43: {  	[sflag:s11] =	ssyncadd.s32 $0xFFFFFFB0  }
0x44: {  	[tilespmem:s15], [sflag:$0x1] =	stream.indirect.gather [hbm4b:s3+s14], $0x80, s2, s14, $0xb8;
	[tilespmem:$0x16180] =	vst v63  }
0x45: {  	_ =	swait.ge [sflag:s16], $0x2800  }
0x46: {  	[sflag:s16] =	ssyncset.done $0x0  }
0x47: {  	[sflag:s16] =	ssyncadd.s32 $0xFFFFD800  }
0x48: {  	[spmem:s1] =	stream.indirect.scatter.add.f32 [tilespmem:s15], [sflag:$0x2], $0x80, s13, s14, $0xb8;
	[tilespmem:$0x16180] =	vst v63  }
0x49: {  	_ =	swait.ge [sflag:s11], $0x2800  }
0x4a: {  	[sflag:s11] =	ssyncset.done $0x0  }
0x4b: {  	[sflag:s11] =	ssyncadd.s32 $0xFFFFD800  }
0x4c: {  	[bflag:$0x0] =	sbarrier.arrive $0xFFFF  }
0x4d: {  	[hbm:s17], [sflag:s5] =	dma.local [spmem:s10], $0x2700  }
0x4e: {  	s19 =	sadd.s32 $0x1, s19;
	_ =	swait.ge [sflag:s11], $0x2700  }
0x4f: {  	p1 =	sne.s32 s19, s7;
	[sflag:s11] =	ssyncset.done $0x0  }
.Ltmp1:
0x50: {  	s20 =	simm.s32 @!p0 $0x2;
	[sflag:s11] =	ssyncadd.s32 $0xFFFFD900;
	(pc) =	sbr.rel @p1 .LBB2_1-.Ltmp1, $4  }
0x51: {  	[hbm:s18], [sflag:s5] =	dma.local @!p0 [spmem:s12], $0x100  }
0x52: {  	_ =	swait.ge @!p0 [sflag:s20], $0x100  }
0x53: {  	[sflag:s20] =	ssyncset.done @!p0 $0x0  }
0x54: {  	[sflag:s20] =	ssyncadd.s32 @!p0 $0xFFFFFF00  }
0x55: {  	_ =	sfence.sel $0x180000  }
0x56: {  	[bflag:$0x0] =	sbarrier.arrive $0xFFFF  }
0x57: {  	_ =	strace $0x9000004D  }
0x58: {  	s0 =	sadd.s32 @!p0 $0x100000, s0;
	[bflag:$0x2] =	sbarrier.arrive $0xFFFF  }
0x59: {  	[sflag:s0] =	ssyncadd.tile.s32 @!p0 $0x1;
	_ =	shalt  }
.Lfunc_end2:
_tile_overlayer_lowered:
.L_overlay_start_2:
0x5a: {  	(tag) =	ssettag $0x2  }
0x5b: {  	s0 =	rddreg [dreg:$0x0];
	s2 =	stileid.u32  }
0x5c: {  	s1 =	rddreg [dreg:$0x1];
	p0 =	sne.s32 s2, $0x0  }
0x5d: {  	s3 =	rddreg [dreg:$0x2];
	[bflag:$0x3] =	sbarrier.arrive $0xFFFF;
	s2 =	simm.s32 @!p0 $0x1C02  }
0x5e: {  	[timem:s3], [sflag:s2] =	dma.local @!p0 [hbm:s0], s1  }
0x5f: {  	s0 =	simm.s32 @!p0 $0x2  }
0x60: {  	_ =	swait.ge @!p0 [sflag:s0], s1  }
0x61: {  	s1 =	ssub.s32 @!p0 $0x0, s1;
	[sflag:s0] =	ssyncset.done @!p0 $0x0  }
0x62: {  	[sflag:s0] =	ssyncadd.s32 @!p0 s1  }
0x63: {  	[bflag:$0x3] =	sbarrier.arrive $0xFFFF  }
0x64: {  	_ =	shalt  }

// kernel: kernel.8.cloned.1.call-start
scs
__scs_entry_jumppad:
0x0: {  	(pc) =	sbr.rel $0x88, $3  }
0x1: {  	(tag) =	ssettag $0x0;
	lr =	simm.s32 $0x1  }
0x2: {  	[smem:$0x3F98] =	sst lr;
	_ =	strace $0xD0000000  }
0x3: {  	_ = 	snop  }
0x4: {  	_ = 	snop  }
0x5: {  	_ = 	snop  }
0x6: {  	_ = 	snop  }
0x7: {  	_ = 	snop  }
__scs_overlays_trampoline_lowered:
0x8: {  	[smem:$0x3FA7] =	sst s0  }
0x9: {  	[smem:$0x3FA8] =	sst s1  }
0xa: {  	[smem:$0x3FA9] =	sst s2  }
0xb: {  	[smem:$0x3FAA] =	sst s3  }
0xc: {  	[smem:$0x3FAB] =	sst s4  }
0xd: {  	[smem:$0x3FAC] =	sst s5  }
0xe: {  	[smem:$0x3FAD] =	sst s6  }
0xf: {  	[smem:$0x3FAE] =	sst s7  }
0x10: {  	[smem:$0x3FAF] =	sst s8  }
0x11: {  	[smem:$0x3FB0] =	sst s9;
	s0 =	simm.s32 @!p0 $0x0  }
0x12: {  	s1 =	sld [smem:$0x3F96];
	s0 =	simm.s32 @p0 $0x1  }
0x13: {  	[smem:$0x3FB1] =	sst s0;
	s0 =	simm.s32 @!p1 $0x0  }
0x14: {  	s2 =	sld [smem:$0x3F95];
	s0 =	simm.s32 @p1 $0x1  }
0x15: {  	[smem:$0x3FB2] =	sst s0;
	s0 =	simm.s32 @!p2 $0x0  }
0x16: {  	s3 =	sld [smem:$0x3FDB];
	s0 =	simm.s32 @p2 $0x1  }
0x17: {  	s4 =	simm.s32 $0x1BF5;
	[smem:$0x3FB4] =	sst s0  }
0x18: {  	s0 =	sld [smem:$0x3F97];
	_ =	swait.ge [sflag:s4], $0x0  }
0x19: {  	s7 =	sld [smem:$0x3F98]  }
0x1a: {  	s8 =	sadd.s32 $0xFFFFE003, lr  }
0x1b: {  	s9 =	sadd.s32 $0xFFFFFEF7, lr;
	s5 =	simm.s32 $0xFFFFFFFF;
	p2 =	slt.u32 s8, $0xFFFFF086  }
0x1c: {  	p1 =	slt.u32 s9, $0xF7A;
	s5 =	simm.s32 @!p2 $0x0  }
0x1d: {  	s5 =	simm.s32 @p1 $0x1;
	p0 =	seq.s32 s7, s2  }
0x1e: {  	s7 =	smul.u32 @!p0 $0xF7A, s2;
	p2 =	seq.s32 @!p0 s5, $0x0  }
0x1f: {  	s9 =	smul.u32 $0xF7A, s1;
	s8 =	simm.s32 @!p0 $0x1BF5;
	p2 =	por !p2, p0  }
0x20: {  	[sflag:s8] =	ssyncset.s32 @!p0 $0xFFFFF086;
	s6 =	sadd.s32 @!p0 s3, s7;
	s7 =	simm.s32 @!p0 $0x108  }
0x21: {  	s3 =	sadd.s32 s3, s9;
	s6 =	sadd.s32 @!p0 $0x88, s6;
	s7 =	simm.s32 @p2 $0x1082  }
0x22: {  	[simem:s7], [sflag:s8] =	dma.local @!p0 [hbm:s6], $0xF7A  }
0x23: {  	s9 =	sor.u32 $0xD0000000, s2;
	s6 =	simm.s32 $0x108;
	_ =	swait.ge @!p0 [sflag:s8], $0x0  }
0x24: {  	s3 =	sadd.s32 $0x88, s3;
	s6 =	simm.s32 @!p1 $0x1082;
	[sflag:s4] =	ssyncset.s32 $0xFFFFF086  }
0x25: {  	[simem:s6], [sflag:s4] =	dma.local [hbm:s3], $0xF7A  }
0x26: {  	[smem:$0x3F98] =	sst s1;
	(tag) =	ssettag s2;
	_ =	strace s9  }
0x27: {  	s1 =	sld [smem:$0x3FA8]  }
0x28: {  	s2 =	sld [smem:$0x3FA9]  }
0x29: {  	s4 =	sld [smem:$0x3FAB]  }
0x2a: {  	p0 =	seq.s32 s5, $0x0;
	s5 =	sld [smem:$0x3FAC]  }
0x2b: {  	s6 =	sld [smem:$0x3FAD]  }
0x2c: {  	s7 =	sld [smem:$0x3FAE]  }
0x2d: {  	s3 =	simm.s32 $0x108;
	s8 =	sld [smem:$0x3FAF]  }
0x2e: {  	s3 =	simm.s32 @!p0 $0x1082;
	s9 =	sld [smem:$0x3FB0]  }
0x2f: {  	lr =	sadd.s32 s0, s3;
	s0 =	sld [smem:$0x3FA7]  }
0x30: {  	s3 =	sld [smem:$0x3FAA]  }
0x31: {  	[smem:$0x3FB3] =	sst s10  }
0x32: {  	s10 =	sld [smem:$0x3FB1];
	_ =	sdelay $0x3  }
0x33: {  	p0 =	seq.s32 s10, $0x1;
	s10 =	sld [smem:$0x3FB3];
	_ =	sdelay $0x3  }
0x34: {  	[smem:$0x3FB3] =	sst s10  }
0x35: {  	s10 =	sld [smem:$0x3FB2];
	_ =	sdelay $0x3  }
0x36: {  	p1 =	seq.s32 s10, $0x1;
	s10 =	sld [smem:$0x3FB3];
	_ =	sdelay $0x3  }
0x37: {  	[smem:$0x3FB3] =	sst s10  }
0x38: {  	s10 =	sld [smem:$0x3FB4]  }
0x39: {  	_ = 	snop;
	(pc) =	sbr.ind lr, $3  }
0x3a: {  	_ = 	snop  }
0x3b: {  	_ = 	snop  }
0x3c: {  	p2 =	seq.s32 s10, $0x1;
	s10 =	sld [smem:$0x3FB3]  }
0x3d: {  	_ =	shalt  }
0x3e: {  	_ =	shalt  }
0x3f: {  	_ =	shalt  }
0x40: {  	_ =	shalt  }
0x41: {  	_ =	shalt  }
0x42: {  	_ =	shalt  }
0x43: {  	_ =	shalt  }
0x44: {  	_ =	shalt  }
0x45: {  	_ =	shalt  }
0x46: {  	_ =	shalt  }
0x47: {  	_ =	shalt  }
0x48: {  	_ =	shalt  }
0x49: {  	_ =	shalt  }
0x4a: {  	_ =	shalt  }
0x4b: {  	_ =	shalt  }
0x4c: {  	_ =	shalt  }
0x4d: {  	_ =	shalt  }
0x4e: {  	_ =	shalt  }
0x4f: {  	_ =	shalt  }
0x50: {  	_ =	shalt  }
0x51: {  	_ =	shalt  }
0x52: {  	_ =	shalt  }
0x53: {  	_ =	shalt  }
0x54: {  	_ =	shalt  }
0x55: {  	_ =	shalt  }
0x56: {  	_ =	shalt  }
0x57: {  	_ =	shalt  }
0x58: {  	_ =	shalt  }
0x59: {  	_ =	shalt  }
0x5a: {  	_ =	shalt  }
0x5b: {  	_ =	shalt  }
0x5c: {  	_ =	shalt  }
0x5d: {  	_ =	shalt  }
0x5e: {  	_ =	shalt  }
0x5f: {  	_ =	shalt  }
0x60: {  	_ =	shalt  }
0x61: {  	_ =	shalt  }
0x62: {  	_ =	shalt  }
0x63: {  	_ =	shalt  }
0x64: {  	_ =	shalt  }
0x65: {  	_ =	shalt  }
0x66: {  	_ =	shalt  }
0x67: {  	_ =	shalt  }
0x68: {  	_ =	shalt  }
0x69: {  	_ =	shalt  }
0x6a: {  	_ =	shalt  }
0x6b: {  	_ =	shalt  }
0x6c: {  	_ =	shalt  }
0x6d: {  	_ =	shalt  }
0x6e: {  	_ =	shalt  }
0x6f: {  	_ =	shalt  }
0x70: {  	_ =	shalt  }
0x71: {  	_ =	shalt  }
0x72: {  	_ =	shalt  }
0x73: {  	_ =	shalt  }
0x74: {  	_ =	shalt  }
0x75: {  	_ =	shalt  }
0x76: {  	_ =	shalt  }
0x77: {  	_ =	shalt  }
0x78: {  	_ =	shalt  }
0x79: {  	_ =	shalt  }
0x7a: {  	_ =	shalt  }
0x7b: {  	_ =	shalt  }
0x7c: {  	_ =	shalt  }
0x7d: {  	_ =	shalt  }
0x7e: {  	_ =	shalt  }
0x7f: {  	_ =	shalt  }
0x80: {  	_ =	shalt  }
0x81: {  	_ =	shalt  }
0x82: {  	_ =	shalt  }
0x83: {  	_ =	shalt  }
0x84: {  	_ =	shalt  }
0x85: {  	_ =	shalt  }
0x86: {  	_ =	shalt  }
0x87: {  	_ =	shalt  }
.Lfunc_end0:
.L_simem_size_0:
called_computation_lowered:
.L_overlay_start_0:
0x88: {  	s2 =	sld [smem:$0x3FD9]  }
0x89: {  	s3 =	sld [smem:$0x3FFE];
	_ =	sdelay $0x1  }
0x8a: {  	s1 =	srdreg.scid  }
0x8b: {  	s0 =	sand.u32 $0x1, s1  }
0x8c: {  	s17 =	sshll.u32 s0, $0xA;
	s2 =	sadd.s32 s3, s2  }
0x8d: {  	s2 =	sadd.s32 s2, s17  }
0x8e: {  	[smem:$0x3FBF] =	sst s2  }
0x8f: {  	_ = 	snop  }
0x90: {  	s2 =	sld [smem:$0x3FC9];
	(tm) =	ssettm $0x1  }
0x91: {  	s18 =	sld [smem:$0x3FFB];
	_ =	sdelay $0x3  }
0x92: {  	_ =	strace s18  }
0x93: {  	s3 =	sld [smem:$0x3FFC];
	_ =	sdelay $0x3  }
0x94: {  	_ =	strace s3  }
0x95: {  	s3 =	sld [smem:$0x3FFD];
	_ =	sdelay $0x3  }
0x96: {  	_ =	strace s3  }
0x97: {  	_ =	strace $0x8FFFFFFF  }
0x98: {  	s19 =	sld [smem:$0x3FDB];
	_ =	sdelay $0x1  }
0x99: {  	s4 =	simm.s32 $_scs_section_size  }
0x9a: {  	s5 =	simm.s32 $_size__tile_overlayer_lowered;
	s6 =	simm.s32 $_tile_overlayer_lowered  }
0x9b: {  	s22 =	simm.s32 $0x1BFF;
	s21 =	sshll.u32 s6, $0x1;
	s3 =	sadd.s32 s4, s19  }
0x9c: {  	s7 =	simm.s32 $0x0;
	s20 =	sshll.u32 s5, $0x1;
	s5 =	sadd.s32 s21, s3  }
0x9d: {  	[timem:s7], [sflag:s22] =	dma.local [hbm:s5], s20  }
0x9e: {  	_ =	swait.ge [sflag:s22], s20  }
0x9f: {  	s4 =	ssub.s32 $0x0, s20;
	[sflag:s22] =	ssyncset.done $0x0  }
0xa0: {  	[sflag:s22] =	ssyncadd.s32 s4;
	_ =	sdelay $0x1  }
0xa1: {  	s23 =	simm.s32 $0x1B8B  }
0xa2: {  	_ =	swait.ge [sflag:s23], $0x1  }
0xa3: {  	[sflag:s23] =	ssyncset.done $0x0  }
0xa4: {  	s25 =	simm.s32 $0x1B8E;
	s24 =	sld [smem:$0x3FFE];
	[sflag:s23] =	ssyncadd.s32 $0xFFFFFFFF  }
0xa5: {  	s26 =	simm.s32 $execute0_lowered;
	[smem:$0x3FD2] =	sst s25  }
0xa6: {  	s5 =	sshll.u32 s26, $0x1;
	_ =	strace $0x80000046;
	[dreg:$0x1] =	wrdreg $0xFFFFFFFF  }
0xa7: {  	s28 =	simm.s32 $_size_execute0_lowered;
	s3 =	sadd.s32 s3, s5;
	[dreg:$0x0] =	wrdreg $0x0  }
0xa8: {  	s5 =	sshll.u32 s28, $0x1;
	[dreg:$0x2] =	wrdreg s3  }
0xa9: {  	[dreg:$0x3] =	wrdreg s5  }
0xaa: {  	[dreg:$0x4] =	wrdreg $0xC0  }
0xab: {  	_ =	task [dreg:s7], $0x5FFFF  }
0xac: {  	[dreg:$0x1] =	wrdreg $0xFFFFFFFF  }
0xad: {  	[dreg:$0x0] =	wrdreg $0x60  }
0xae: {  	[dreg:$0x2] =	wrdreg s2  }
0xaf: {  	[dreg:$0x3] =	wrdreg s24  }
0xb0: {  	[dreg:$0x4] =	wrdreg $0x29000  }
0xb1: {  	[dreg:$0x5] =	wrdreg $0x9  }
0xb2: {  	_ =	task.clear_ibuf [dreg:s7], $0x6FFFF;
	_ =	strace $0x90000046  }
0xb3: {  	s29 =	simm.s32 $0x9;
	_ =	strace $0x80000048  }
0xb4: {  	_ =	swait.ge [sflag:s29], $0x1  }
0xb5: {  	[sflag:s29] =	ssyncadd.s32 $0xFFFFFFFF  }
0xb6: {  	_ =	strace $0x90000048  }
0xb7: {  	_ =	sfence  }
0xb8: {  	s30 =	sld [smem:$0x0];
	_ =	sdelay $0x2  }
0xb9: {  	s31 =	sshll.u32 s1, $0xD;
	s1 =	sshrl.u32 s1, $0x2  }
0xba: {  	s3 =	sand.u32 $0x4000, s31;
	s1 =	sadd.s32 s1, s30  }
0xbb: {  	s0 =	sor.u32 s3, s0;
	s1 =	sshll.u32 s1, $0x11  }
0xbc: {  	s0 =	sor.u32 s1, s0  }
0xbd: {  	s0 =	sadd.s32 $0x8F2B, s0  }
0xbe: {  	[sflag:s0] =	ssyncadd.remote.s32 $0x1  }
0xbf: {  	_ =	sfence.sel $0xFFFF  }
0xc0: {  	[dreg:$0x0] =	wrdreg $0xFFFFFFFF;
	(pc) =	sbr.abs _section_cstart, $3  }
0xc1: {  	[dreg:$0x1] =	wrdreg $0xFFFFFFFF  }
0xc2: {  	_ =	task.clear_ibuf [dreg:s7], $0x2FFFF;
	_ =	strace $0x9FFFFFFF  }
0xc3: {  	(tm) =	ssettm $0x7FFFFFFF  }
tec
execute0_lowered:
.L_overlay_start_1:
0x0: {  	(tag) =	ssettag $0x1  }
0x1: {  	s0 =	rddreg [dreg:$0x0]  }
0x2: {  	s4 =	rddreg [dreg:$0x1];
	s1 =	srdreg.scid  }
0x3: {  	s10 =	stileid.u32;
	s2 =	rddreg [dreg:$0x2]  }
0x4: {  	s3 =	simm.s32 $0x0;
	s14 =	simm.s32 $0x50;
	s15 =	simm.s32 $0x100  }
0x5: {  	s16 =	simm.s32 $0x1;
	s19 =	simm.s32 $0x0;
	s6 =	smul.u32 $0x4E20, s10  }
0x6: {  	s5 =	sand.u32 $0x1, s1;
	s1 =	rddreg [dreg:$0x3];
	s8 =	smul.u32 $0x4E000, s10  }
0x7: {  	[smem:$0x7FF] =	sst s3;
	s17 =	smul.u32 $0x2700, s10;
	s31 =	sshll.u32 s10, $0x6  }
0x8: {  	s13 =	sadd.s32 $0x138000, s2;
	p0 =	sne.s32 s10, $0x0;
	s7 =	smul.u32 $0x2710, s5  }
0x9: {  	_ =	strace $0x80000047;
	s28 =	smul.u32 $0x27100, s5;
	s5 =	ssub.s32 $0x2, s5  }
0xa: {  	s29 =	sshrl.u32 s5, $0x1;
	s30 =	sshrl.u32 s8, $0x2;
	s6 =	sadd.s32 s7, s6  }
0xb: {  	s7 =	sadd.s32 s28, s4;
	s11 =	ssub.s32 s5, s29;
	s12 =	sadd.s32 s30, s2  }
0xc: {  	s5 =	sor.u32 $0x1C02, s31;
	s6 =	sshrl.u32 s6, $0x3;
	s18 =	sadd.s32 $0x17C00, s7  }
0xd: {  	s7 =	smax.u32 s11, $0x1;
	s10 =	sshrl.u32 s12, $0x3;
	s11 =	simm.s32 $0x2  }
0xe: {  	s12 =	sshrl.u32 @!p0 s13, $0x3;
	s13 =	simm.s32 $0x80;
	s9 =	sadd.s32 s6, s4  }
0xf: {  	s4 =	sadd.s32 s0, s17;
	s6 =	sadd.s32 $0x27000, s0;
	s17 =	sadd.s32 s17, s18  }
0x10: {  	s18 =	sadd.s32 @!p0 $0x27000, s18;
	s8 =	sadd.s32 $0x4000, s9;
	s9 =	sadd.s32 $0xDE00, s9  }
.LBB2_1:
0x11: {  	[spmem:s10], [sflag:s5] =	dma.local [hbm:s4], $0x2700  }
0x12: {  	_ =	swait.ge [sflag:s11], $0x2700  }
0x13: {  	[sflag:s11] =	ssyncset.done $0x0  }
0x14: {  	s20 =	simm.s32 @!p0 $0x2;
	[sflag:s11] =	ssyncadd.s32 $0xFFFFD900  }
0x15: {  	[spmem:s12], [sflag:s5] =	dma.local @!p0 [hbm:s6], $0x100  }
0x16: {  	_ =	swait.ge @!p0 [sflag:s20], $0x100  }
0x17: {  	[sflag:s20] =	ssyncset.done @!p0 $0x0  }
0x18: {  	[sflag:s20] =	ssyncadd.s32 @!p0 $0xFFFFFF00  }
0x19: {  	s30 =	sadd.s32 $0x0, s9;
	[bflag:$0x0] =	sbarrier.arrive $0xFFFF  }
0x1a: {  	[tilespmem:s3], [sflag:$0x2] =	stream.linear.gather [hbm4b:s30+s3], $0x50, $0x38;
	[tilespmem:$0x16180] =	vst v63  }
0x1b: {  	_ =	swait.ge [sflag:s11], $0x50  }
0x1c: {  	[sflag:s11] =	ssyncset.done $0x0  }
0x1d: {  	s31 =	sadd.s32 $0x0, s8;
	[sflag:s11] =	ssyncadd.s32 $0xFFFFFFB0  }
0x1e: {  	[tilespmem:s13], [sflag:$0x2] =	stream.linear.gather [hbm4b:s31+s3], $0x50, $0x38;
	[tilespmem:$0x16180] =	vst v63  }
0x1f: {  	_ =	swait.ge [sflag:s11], $0x50  }
0x20: {  	[sflag:s11] =	ssyncset.done $0x0  }
0x21: {  	[sflag:s11] =	ssyncadd.s32 $0xFFFFFFB0  }
0x22: {  	[tilespmem:s15], [sflag:$0x1] =	stream.indirect.gather [hbm4b:s0+s14], $0x80, s3, s14, $0xb8;
	[tilespmem:$0x16180] =	vst v63  }
0x23: {  	_ =	swait.ge [sflag:s16], $0x2800  }
0x24: {  	[sflag:s16] =	ssyncset.done $0x0  }
0x25: {  	[sflag:s16] =	ssyncadd.s32 $0xFFFFD800  }
0x26: {  	[spmem:s2] =	stream.indirect.scatter.add.f32 [tilespmem:s15], [sflag:$0x2], $0x80, s13, s14, $0xb8;
	[tilespmem:$0x16180] =	vst v63  }
0x27: {  	_ =	swait.ge [sflag:s11], $0x2800  }
0x28: {  	s21 =	simm.s32 $0x14;
	s20 =	simm.s32 $0xA;
	[sflag:s11] =	ssyncset.done $0x0  }
.LBB2_2:
0x29: {  	s22 =	sadd.s32 s20, s9  }
0x2a: {  	[sflag:s11] =	ssyncadd.s32 $0xFFFFD800;
	s23 =	smov.u32 s21;
	s24 =	sadd.s32 $0xA, s21  }
0x2b: {  	[tilespmem:s3], [sflag:$0x2] =	stream.linear.gather [hbm4b:s22+s3], $0x50, $0x38;
	[tilespmem:$0x16180] =	vst v63  }
0x2c: {  	p1 =	sne.s32 s21, $0x4D8;
	_ =	swait.ge [sflag:s11], $0x50  }
0x2d: {  	[sflag:s11] =	ssyncset.done $0x0  }
0x2e: {  	s21 =	sadd.s32 s20, s8;
	s20 =	smov.u32 s23;
	[sflag:s11] =	ssyncadd.s32 $0xFFFFFFB0  }
0x2f: {  	[tilespmem:s13], [sflag:$0x2] =	stream.linear.gather [hbm4b:s21+s3], $0x50, $0x38;
	[tilespmem:$0x16180] =	vst v63  }
0x30: {  	_ =	swait.ge [sflag:s11], $0x50  }
0x31: {  	[sflag:s11] =	ssyncset.done $0x0  }
0x32: {  	[sflag:s11] =	ssyncadd.s32 $0xFFFFFFB0  }
0x33: {  	[tilespmem:s15], [sflag:$0x1] =	stream.indirect.gather [hbm4b:s0+s14], $0x80, s3, s14, $0xb8;
	[tilespmem:$0x16180] =	vst v63  }
0x34: {  	_ =	swait.ge [sflag:s16], $0x2800  }
.Ltmp0:
0x35: {  	[sflag:s16] =	ssyncset.done $0x0;
	(pc) =	sbr.rel @p1 .LBB2_2-.Ltmp0, $4  }
0x36: {  	[sflag:s16] =	ssyncadd.s32 $0xFFFFD800  }
0x37: {  	[spmem:s2] =	stream.indirect.scatter.add.f32 [tilespmem:s15], [sflag:$0x2], $0x80, s13, s14, $0xb8;
	[tilespmem:$0x16180] =	vst v63  }
0x38: {  	_ =	swait.ge [sflag:s11], $0x2800  }
0x39: {  	s21 =	smov.u32 s24;
	[sflag:s11] =	ssyncset.done $0x0  }
0x3a: {  	s21 =	sadd.s32 s20, s9;
	[sflag:s11] =	ssyncadd.s32 $0xFFFFD800  }
0x3b: {  	[tilespmem:s3], [sflag:$0x2] =	stream.linear.gather [hbm4b:s21+s3], $0x50, $0x38;
	[tilespmem:$0x16180] =	vst v63  }
0x3c: {  	_ =	swait.ge [sflag:s11], $0x50  }
0x3d: {  	[sflag:s11] =	ssyncset.done $0x0  }
0x3e: {  	s31 =	sadd.s32 s20, s8;
	[sflag:s11] =	ssyncadd.s32 $0xFFFFFFB0  }
0x3f: {  	[tilespmem:s13], [sflag:$0x2] =	stream.linear.gather [hbm4b:s31+s3], $0x50, $0x38;
	[tilespmem:$0x16180] =	vst v63  }
0x40: {  	_ =	swait.ge [sflag:s11], $0x50  }
0x41: {  	[sflag:s11] =	ssyncset.done $0x0  }
0x42: {  	[sflag:s11] =	ssyncadd.s32 $0xFFFFFFB0  }
0x43: {  	[tilespmem:s15], [sflag:$0x1] =	stream.indirect.gather [hbm4b:s0+s14], $0x80, s3, s14, $0xb8;
	[tilespmem:$0x16180] =	vst v63  }
0x44: {  	_ =	swait.ge [sflag:s16], $0x2800  }
0x45: {  	[sflag:s16] =	ssyncset.done $0x0  }
0x46: {  	[sflag:s16] =	ssyncadd.s32 $0xFFFFD800  }
0x47: {  	[spmem:s2] =	stream.indirect.scatter.add.f32 [tilespmem:s15], [sflag:$0x2], $0x80, s13, s14, $0xb8;
	[tilespmem:$0x16180] =	vst v63  }
0x48: {  	_ =	swait.ge [sflag:s11], $0x2800  }
0x49: {  	[sflag:s11] =	ssyncset.done $0x0  }
0x4a: {  	[sflag:s11] =	ssyncadd.s32 $0xFFFFD800  }
0x4b: {  	[bflag:$0x0] =	sbarrier.arrive $0xFFFF  }
0x4c: {  	[hbm:s17], [sflag:s5] =	dma.local [spmem:s10], $0x2700  }
0x4d: {  	s19 =	sadd.s32 $0x1, s19;
	_ =	swait.ge [sflag:s11], $0x2700  }
0x4e: {  	p1 =	sne.s32 s19, s7;
	[sflag:s11] =	ssyncset.done $0x0  }
.Ltmp1:
0x4f: {  	s20 =	simm.s32 @!p0 $0x2;
	[sflag:s11] =	ssyncadd.s32 $0xFFFFD900;
	(pc) =	sbr.rel @p1 .LBB2_1-.Ltmp1, $4  }
0x50: {  	[hbm:s18], [sflag:s5] =	dma.local @!p0 [spmem:s12], $0x100  }
0x51: {  	_ =	swait.ge @!p0 [sflag:s20], $0x100  }
0x52: {  	[sflag:s20] =	ssyncset.done @!p0 $0x0  }
0x53: {  	[sflag:s20] =	ssyncadd.s32 @!p0 $0xFFFFFF00  }
0x54: {  	_ =	sfence.sel $0x180000  }
0x55: {  	[bflag:$0x0] =	sbarrier.arrive $0xFFFF  }
0x56: {  	_ =	strace $0x90000047  }
0x57: {  	s0 =	sadd.s32 @!p0 $0x100000, s1;
	[bflag:$0x2] =	sbarrier.arrive $0xFFFF  }
0x58: {  	[sflag:s0] =	ssyncadd.tile.s32 @!p0 $0x1;
	_ =	shalt  }
.Lfunc_end2:
_tile_overlayer_lowered:
.L_overlay_start_2:
0x59: {  	(tag) =	ssettag $0x2  }
0x5a: {  	s0 =	rddreg [dreg:$0x0];
	s2 =	stileid.u32  }
0x5b: {  	s1 =	rddreg [dreg:$0x1];
	p0 =	sne.s32 s2, $0x0  }
0x5c: {  	s3 =	rddreg [dreg:$0x2];
	[bflag:$0x3] =	sbarrier.arrive $0xFFFF;
	s2 =	simm.s32 @!p0 $0x1C02  }
0x5d: {  	[timem:s3], [sflag:s2] =	dma.local @!p0 [hbm:s0], s1  }
0x5e: {  	s0 =	simm.s32 @!p0 $0x2  }
0x5f: {  	_ =	swait.ge @!p0 [sflag:s0], s1  }
0x60: {  	s1 =	ssub.s32 @!p0 $0x0, s1;
	[sflag:s0] =	ssyncset.done @!p0 $0x0  }
0x61: {  	[sflag:s0] =	ssyncadd.s32 @!p0 s1  }
0x62: {  	[bflag:$0x3] =	sbarrier.arrive $0xFFFF  }
0x63: {  	_ =	shalt  }

</sc_bundles>
